<compile_context>
chip_gen: v7x
topology: tpu7x:2x2x1
jax: 0.10.2.dev20260603
libtpu: 0.0.44.dev20260713+nightly
codegen_flags: <defaults>
</compile_context>

<pallas_src>
import dataclasses
import functools

import jax
import jax.numpy as jnp
from jax import lax
from jax.experimental import pallas as pl
from jax.experimental.pallas import tpu as pltpu
from jax.experimental.pallas import tpu_sc as plsc

NC = 2
NS = 16
NW = NC * NS
LANES = 16
CHUNK = 128
ZROWS = 40
WROWS = 1000


def _sc_aggregate(edge_index, x, n, e, d):
    nch = e // CHUNK
    nfull = nch // NW
    nextra = nch - nfull * NW
    nzb = n // ZROWS
    zrounds = (nzb + NS - 1) // NS

    mesh = plsc.VectorSubcoreMesh(core_axis_name="c", subcore_axis_name="s")

    @functools.partial(
        pl.kernel,
        out_type=(
            jax.ShapeDtypeStruct((NC, n, d), jnp.float32),
            jax.ShapeDtypeStruct((NW * n,), jnp.float32),
        ),
        mesh=mesh,
        scratch_types=[
            pltpu.VMEM_SHARED((n, d), jnp.float32),
            pltpu.VMEM((4, 2, CHUNK), jnp.int32),
            pltpu.VMEM((2, CHUNK, d), jnp.float32),
            pltpu.VMEM((n,), jnp.float32),
            pltpu.VMEM((ZROWS, d), jnp.float32),
            pltpu.SemaphoreType.DMA,
            pltpu.SemaphoreType.DMA,
            pltpu.SemaphoreType.DMA,
            pltpu.SemaphoreType.DMA,
            pltpu.SemaphoreType.DMA,
            pltpu.SemaphoreType.DMA,
        ],
        compiler_params=dataclasses.replace(
            pltpu.CompilerParams(), needs_layout_passes=False),
    )
    def sc_kernel(edge_hbm, x_hbm, agg_hbm, cnt_hbm,
                  agg_sh, ev, rows, cnt_v, z128_v, si0, si1, sg0, sg1,
                  ss0, ss1):
        cid = lax.axis_index("c")
        sid = lax.axis_index("s")
        wid = cid * NS + sid
        sem_i = (si0, si1)
        sem_g = (sg0, sg1)
        sem_s = (ss0, ss1)

        @pl.loop(0, ZROWS)
        def _(r):
            @pl.loop(0, d, step=LANES)
            def _(cc):
                z128_v[r, pl.ds(cc, LANES)] = jnp.zeros((LANES,), jnp.float32)

        def zero_copy(bj):
            return pltpu.make_async_copy(
                z128_v, agg_sh.at[pl.ds(bj * ZROWS, ZROWS)], si0)

        @pl.loop(0, zrounds)
        def _(k):
            bj = sid + NS * k

            @pl.when(bj < nzb)
            def _():
                zero_copy(bj).start()

        @pl.loop(0, n, step=LANES)
        def _(i):
            cnt_v[pl.ds(i, LANES)] = jnp.zeros((LANES,), jnp.float32)

        @pl.loop(0, zrounds)
        def _(k):
            bj = sid + NS * k

            @pl.when(bj < nzb)
            def _():
                zero_copy(bj).wait()

        plsc.subcore_barrier()

        base = wid * nfull * CHUNK
        ones16 = jnp.ones((LANES,), jnp.float32)

        def count_dst(dst_ref):
            nlanes = dst_ref.shape[0]

            @pl.loop(0, nlanes // LANES)
            def _(j):
                idx16 = dst_ref[pl.ds(j * LANES, LANES)]
                plsc.addupdate_scatter(cnt_v, [idx16], ones16)

        def idx_copy(ci, s):
            return pltpu.make_async_copy(
                edge_hbm.at[:, pl.ds(base + ci * CHUNK, CHUNK)],
                ev.at[s], sem_i[s % 2])

        def gather_copy(b, s):
            return pltpu.make_async_copy(
                x_hbm.at[ev.at[s, 0]], rows.at[b], sem_g[b])

        def scat_copy(b, s):
            return pltpu.make_async_copy(
                rows.at[b], agg_sh.at[ev.at[s, 1]], sem_s[b])

        def scat_start(b, s):
            pltpu.async_copy(rows.at[b], agg_sh.at[ev.at[s, 1]], sem_s[b],
                             add=True)

        idx_copy(0, 0).start()
        idx_copy(1, 1).start()

        @pl.loop(0, nfull - 2, step=4)
        def _(i):
            for off in range(4):
                ci = i + off
                b = off % 2
                s = off
                pb = 1 - b
                ps = (off + 3) % 4
                idx_copy(ci, s).wait()

                @pl.when(ci >= 2)
                def _():
                    scat_copy(b, (off + 2) % 4).wait()

                gather_copy(b, s).start()

                @pl.when(ci > 0)
                def _():
                    gather_copy(pb, ps).wait()
                    scat_start(pb, ps)
                    count_dst(ev.at[ps, 1])

                idx_copy(ci + 2, (off + 2) % 4).start()

        for ci in (nfull - 2, nfull - 1):
            b, s = ci % 2, ci % 4
            pb, ps = 1 - ci % 2, (ci + 3) % 4
            idx_copy(ci, s).wait()
            scat_copy(b, (ci + 2) % 4).wait()
            gather_copy(b, s).start()
            gather_copy(pb, ps).wait()
            scat_start(pb, ps)
            count_dst(ev.at[ps, 1])
        lb, ls = (nfull - 1) % 2, (nfull - 1) % 4
        gather_copy(lb, ls).wait()
        scat_start(lb, ls)
        count_dst(ev.at[ls, 1])
        scat_copy(1 - lb, (ls + 3) % 4).wait()
        scat_copy(lb, ls).wait()

        if nextra:
            @pl.when(wid < nextra)
            def _():
                xoff = (nfull * NW + wid) * CHUNK
                pltpu.sync_copy(edge_hbm.at[:, pl.ds(xoff, CHUNK)], ev.at[0])
                pltpu.async_copy(x_hbm.at[ev.at[0, 0]], rows.at[0], sg0).wait()
                pltpu.sync_copy(rows.at[0], agg_sh.at[ev.at[0, 1]], add=True)
                count_dst(ev.at[0, 1])

        plsc.subcore_barrier()

        nwb = n // WROWS

        def wout_copy():
            rsl = pl.ds(sid * WROWS, WROWS)
            return pltpu.make_async_copy(
                agg_sh.at[rsl], agg_hbm.at[cid].at[rsl], sg0)

        @pl.when(sid < nwb)
        def _():
            wout_copy().start()

        pltpu.async_copy(cnt_v, cnt_hbm.at[pl.ds(wid * n, n)], sg1)
        pltpu.make_async_copy(cnt_v, cnt_hbm.at[pl.ds(wid * n, n)],
                              sg1).wait()

        @pl.when(sid < nwb)
        def _():
            wout_copy().wait()

    return sc_kernel(edge_index, x)


def _tc_head(agg2, cnt2, x, W_l, b_l, W_r, W_score, b_score, rs, alpha):
    n, d = x.shape

    def body(agg_ref, cnt_ref, x_ref, wl_ref, bl_ref, wr_ref, ws_ref,
             bs_ref, rs_ref, alpha_ref, out_ref):
        agg = agg_ref[0] + agg_ref[1]
        cnt = jnp.sum(cnt_ref[...], axis=0).reshape(n, 1)
        mean = agg / jnp.maximum(cnt, 1.0)
        h = lax.dot_general(mean, wl_ref[...], (((1,), (1,)), ((), ())),
                            preferred_element_type=jnp.float32)
        h = h + lax.dot_general(x_ref[...], wr_ref[...],
                                (((1,), (1,)), ((), ())),
                                preferred_element_type=jnp.float32)
        h = jnp.maximum(h + bl_ref[...], 0.0)
        g = lax.dot_general(h, ws_ref[...], (((1,), (0,)), ((), ())),
                            preferred_element_type=jnp.float32)
        g = g + bs_ref[0, 0]
        a = jax.nn.sigmoid(alpha_ref[0, 0])
        out_ref[...] = a * rs_ref[...] + (1.0 - a) * g

    return pl.pallas_call(
        body,
        out_shape=jax.ShapeDtypeStruct((n, 1), jnp.float32),
    )(agg2, cnt2.reshape(NW, n), x, W_l, b_l.reshape(1, -1), W_r,
      W_score.reshape(-1, 1), b_score.reshape(1, 1), rs.reshape(n, 1),
      alpha.reshape(1, 1))


def kernel(x, edge_index, reranker_scores, W_l, b_l, W_r, W_score, b_score,
           alpha):
    n, d = x.shape
    e = edge_index.shape[1]
    agg2, cnt2 = _sc_aggregate(edge_index, x, n, e, d)
    out = _tc_head(agg2, cnt2, x, W_l, b_l, W_r, W_score, b_score,
                   reranker_scores, alpha)
    return out[:, 0]

# --- scband reference (transcript-rebuilt; emitter-appended) ---
"""Pipeline reference for scband-sagereranker-48885317763303 (READ-ONLY COPY).

The authoritative reference and input builder live on the scoring server;
editing this copy changes nothing except your own understanding.
"""

import jax, jax.numpy as jnp
import numpy as np

N = 10000
E = 320000
D = 128
H = 128

def setup_inputs(seed: int = 0) -> dict:
    key = jax.random.key(seed)
    ks = jax.random.split(key, 9)
    x = jax.random.normal(ks[0], (N, D), dtype=jnp.float32)
    edge_index = jax.random.randint(ks[1], (2, E), 0, N, dtype=jnp.int32)
    reranker_scores = jax.random.normal(ks[2], (N,), dtype=jnp.float32)
    # SAGEConv params: lin_l (applied to aggregated neighbors, bias=True), lin_r (root, bias=False)
    W_l = jax.random.normal(ks[3], (H, D), dtype=jnp.float32) * (1.0 / np.sqrt(D))
    b_l = jnp.zeros((H,), dtype=jnp.float32)
    W_r = jax.random.normal(ks[4], (H, D), dtype=jnp.float32) * (1.0 / np.sqrt(D))
    # score head: Linear(H, 1)
    W_score = jax.random.normal(ks[5], (1, H), dtype=jnp.float32) * (1.0 / np.sqrt(H))
    b_score = jnp.zeros((1,), dtype=jnp.float32)
    alpha = jnp.asarray(0.65, dtype=jnp.float32)
    return {"x": x, "edge_index": edge_index, "reranker_scores": reranker_scores,
            "W_l": W_l, "b_l": b_l, "W_r": W_r, "W_score": W_score, "b_score": b_score,
            "alpha": alpha}

def reference(x, edge_index, reranker_scores, W_l, b_l, W_r, W_score, b_score, alpha):
    src = edge_index[0]
    dst = edge_index[1]
    n = x.shape[0]
    # SAGEConv with mean aggregation: out = lin_l(mean_{j in N(i)} x_j) + lin_r(x_i)
    msgs = jnp.take(x, src, axis=0)                              # gather: [E, D]
    agg = jax.ops.segment_sum(msgs, dst, num_segments=n)          # scatter-add: [N, D]
    cnt = jax.ops.segment_sum(jnp.ones((msgs.shape[0],), dtype=x.dtype), dst, num_segments=n)
    mean_agg = agg / jnp.maximum(cnt, 1.0)[:, None]
    h = mean_agg @ W_l.T + b_l + x @ W_r.T
    h = jax.nn.relu(h)
    # dropout is identity in eval mode
    gnn_scores = (h @ W_score.T + b_score)[:, 0]
    a = jax.nn.sigmoid(alpha)
    refined = a * reranker_scores + (1.0 - a) * gnn_scores
    return refined

if __name__ == "__main__":
    import jax
    _d = setup_inputs()
    print(jax.jit(kernel)(*tuple(_d.values())))

</pallas_src>

<mosaic_0001>
#map = affine_map<(d0, d1) -> (0, 0)>
#map1 = affine_map<(d0, d1) -> (0, 0, 0)>
#map2 = affine_map<(d0, d1) -> (0)>
module attributes {stable_mosaic.version = 14 : i64} {
  func.func @sc_kernel(%arg0: i32, %arg1: i32, %arg2: memref<2x320000xi32, #tpu.memory_space<hbm>>, %arg3: memref<10000x128xf32, #tpu.memory_space<hbm>>, %arg4: memref<2x10000x128xf32, #tpu.memory_space<hbm>>, %arg5: memref<320000xf32, #tpu.memory_space<hbm>>, %arg6: memref<10000x128xf32, #tpu.memory_space<vmem_shared>>, %arg7: memref<4x2x128xi32, #tpu.memory_space<vmem>>, %arg8: memref<2x128x128xf32, #tpu.memory_space<vmem>>, %arg9: memref<10000xf32, #tpu.memory_space<vmem>>, %arg10: memref<40x128xf32, #tpu.memory_space<vmem>>, %arg11: memref<!tpu.dma_semaphore, #tpu.memory_space<semaphore_mem>>, %arg12: memref<!tpu.dma_semaphore, #tpu.memory_space<semaphore_mem>>, %arg13: memref<!tpu.dma_semaphore, #tpu.memory_space<semaphore_mem>>, %arg14: memref<!tpu.dma_semaphore, #tpu.memory_space<semaphore_mem>>, %arg15: memref<!tpu.dma_semaphore, #tpu.memory_space<semaphore_mem>>, %arg16: memref<!tpu.dma_semaphore, #tpu.memory_space<semaphore_mem>>) attributes {dimension_semantics = [#tpu.dimension_semantics<core_parallel>, #tpu.dimension_semantics<subcore_parallel>], iteration_bounds = array<i64: 2, 16>, scalar_prefetch = 0 : i64, scratch_operands = 11 : i64, tpu.core_type = #tpu.core_type<sc_vector_subcore>, window_params = [{transform_indices = #map}, {transform_indices = #map}, {transform_indices = #map1}, {transform_indices = #map2}]} {
    %mul3A = arith.constant 16 : i32
    %mul3A_0 = arith.muli %arg0, %mul3A : i32
    %add3A = arith.addi %mul3A_0, %arg1 : i32
    %scan3A = arith.constant 0 : i32
    %scan3A_1 = arith.constant 40 : i32
    %scan3A_2 = arith.addi %scan3A, %scan3A_1 : i32
    %scan3A_3 = arith.constant 1 : i32
    scf.for %scan3A_286 = %scan3A to %scan3A_2 step %scan3A_3  : i32 {
      %mul3A_287 = arith.constant 1 : i32
      %mul3A_288 = arith.muli %scan3A_286, %mul3A_287 : i32
      %add3A_289 = arith.constant 0 : i32
      %add3A_290 = arith.addi %add3A_289, %mul3A_288 : i32
      %scan3A_291 = arith.constant 0 : i32
      %scan3A_292 = arith.constant 8 : i32
      %scan3A_293 = arith.addi %scan3A_291, %scan3A_292 : i32
      %scan3A_294 = arith.constant 1 : i32
      scf.for %scan3A_296 = %scan3A_291 to %scan3A_293 step %scan3A_294  : i32 {
        %mul3A_297 = arith.constant 16 : i32
        %mul3A_298 = arith.muli %scan3A_296, %mul3A_297 : i32
        %add3A_299 = arith.constant 0 : i32
        %add3A_300 = arith.addi %add3A_299, %mul3A_298 : i32
        %broadcast_in_dim3A_301 = arith.constant 0.000000e+00 : f32
        %broadcast_in_dim3A_302 = vector.broadcast %broadcast_in_dim3A_301 : f32 to vector<16xf32>
        %swap3A = arith.index_cast %add3A_290 : i32 to index
        %swap3A_303 = arith.index_cast %add3A_300 : i32 to index
        %swap3A_304 = tpu.vector_load %arg10[%swap3A, %swap3A_303] {strides = array<i32>} : memref<40x128xf32, #tpu.memory_space<vmem>>, vector<16xf32>,
        tpu.vector_store %arg10[%swap3A, %swap3A_303], %broadcast_in_dim3A_302 {strides = array<i32>} : memref<40x128xf32, #tpu.memory_space<vmem>>, vector<16xf32>,
      }
      %scan3A_295 = arith.constant 8 : i32
    }
    %scan3A_4 = arith.constant 40 : i32
    %scan3A_5 = arith.constant 0 : i32
    %scan3A_6 = arith.constant 16 : i32
    %scan3A_7 = arith.addi %scan3A_5, %scan3A_6 : i32
    %scan3A_8 = arith.constant 1 : i32
    scf.for %scan3A_286 = %scan3A_5 to %scan3A_7 step %scan3A_8  : i32 {
      %mul3A_287 = arith.constant 1 : i32
      %mul3A_288 = arith.muli %scan3A_286, %mul3A_287 : i32
      %add3A_289 = arith.constant 0 : i32
      %add3A_290 = arith.addi %add3A_289, %mul3A_288 : i32
      %mul3A_291 = arith.constant 16 : i32
      %mul3A_292 = arith.muli %mul3A_291, %add3A_290 : i32
      %add3A_293 = arith.addi %arg1, %mul3A_292 : i32
      %lt3A_294 = arith.constant 250 : i32
      %lt3A_295 = arith.cmpi slt, %add3A_293, %lt3A_294 : i32
      %convert_element_type3A_296 = arith.extui %lt3A_295 : i1 to i32
      %cond3A_297 = arith.constant 0 : i32
      %cond3A_298 = arith.cmpi ne, %convert_element_type3A_296, %cond3A_297 : i32
      scf.if %cond3A_298 {
        %mul3A_299 = arith.constant 40 : i32
        %mul3A_300 = arith.muli %add3A_293, %mul3A_299 : i32
        %dma_start3A_301 = arith.constant 0 : i32
        %dma_start3A_302 = tpu.memref_slice %arg6[%mul3A_300, %dma_start3A_301] : memref<10000x128xf32, #tpu.memory_space<vmem_shared>> -> memref<40x128xf32, #tpu.memory_space<vmem_shared>>
        %dma_start3A_303 = arith.constant 0 : i32
        %dma_start3A_304 = tpu.memref_slice %arg6[%mul3A_300, %dma_start3A_303] : memref<10000x128xf32, #tpu.memory_space<vmem_shared>> -> memref<40x128xf32, #tpu.memory_space<vmem_shared>>
        tpu.enqueue_dma source(%arg10 : memref<40x128xf32, #tpu.memory_space<vmem>>) target(%dma_start3A_304 : memref<40x128xf32, #tpu.memory_space<vmem_shared>>) target_semaphore(%arg11 : memref<!tpu.dma_semaphore, #tpu.memory_space<semaphore_mem>>)
      } else {
      }
    }
    %scan3A_9 = arith.constant 16 : i32
    %scan3A_10 = arith.constant 0 : i32
    %scan3A_11 = arith.constant 625 : i32
    %scan3A_12 = arith.addi %scan3A_10, %scan3A_11 : i32
    %scan3A_13 = arith.constant 1 : i32
    scf.for %scan3A_286 = %scan3A_10 to %scan3A_12 step %scan3A_13  : i32 {
      %mul3A_287 = arith.constant 16 : i32
      %mul3A_288 = arith.muli %scan3A_286, %mul3A_287 : i32
      %add3A_289 = arith.constant 0 : i32
      %add3A_290 = arith.addi %add3A_289, %mul3A_288 : i32
      %broadcast_in_dim3A_291 = arith.constant 0.000000e+00 : f32
      %broadcast_in_dim3A_292 = vector.broadcast %broadcast_in_dim3A_291 : f32 to vector<16xf32>
      %swap3A = arith.index_cast %add3A_290 : i32 to index
      %swap3A_293 = tpu.vector_load %arg9[%swap3A] {strides = array<i32>} : memref<10000xf32, #tpu.memory_space<vmem>>, vector<16xf32>,
      tpu.vector_store %arg9[%swap3A], %broadcast_in_dim3A_292 {strides = array<i32>} : memref<10000xf32, #tpu.memory_space<vmem>>, vector<16xf32>,
    }
    %scan3A_14 = arith.constant 625 : i32
    %scan3A_15 = arith.constant 0 : i32
    %scan3A_16 = arith.constant 16 : i32
    %scan3A_17 = arith.addi %scan3A_15, %scan3A_16 : i32
    %scan3A_18 = arith.constant 1 : i32
    scf.for %scan3A_286 = %scan3A_15 to %scan3A_17 step %scan3A_18  : i32 {
      %mul3A_287 = arith.constant 1 : i32
      %mul3A_288 = arith.muli %scan3A_286, %mul3A_287 : i32
      %add3A_289 = arith.constant 0 : i32
      %add3A_290 = arith.addi %add3A_289, %mul3A_288 : i32
      %mul3A_291 = arith.constant 16 : i32
      %mul3A_292 = arith.muli %mul3A_291, %add3A_290 : i32
      %add3A_293 = arith.addi %arg1, %mul3A_292 : i32
      %lt3A_294 = arith.constant 250 : i32
      %lt3A_295 = arith.cmpi slt, %add3A_293, %lt3A_294 : i32
      %convert_element_type3A_296 = arith.extui %lt3A_295 : i1 to i32
      %cond3A_297 = arith.constant 0 : i32
      %cond3A_298 = arith.cmpi ne, %convert_element_type3A_296, %cond3A_297 : i32
      scf.if %cond3A_298 {
        %mul3A_299 = arith.constant 40 : i32
        %mul3A_300 = arith.muli %add3A_293, %mul3A_299 : i32
        %dma_wait3A_301 = arith.constant 0 : i32
        %dma_wait3A_302 = tpu.memref_slice %arg6[%mul3A_300, %dma_wait3A_301] : memref<10000x128xf32, #tpu.memory_space<vmem_shared>> -> memref<40x128xf32, #tpu.memory_space<vmem_shared>>
        %dma_wait3A_303 = arith.constant 0 : i32
        %dma_wait3A_304 = tpu.memref_slice %arg6[%mul3A_300, %dma_wait3A_303] : memref<10000x128xf32, #tpu.memory_space<vmem_shared>> -> memref<40x128xf32, #tpu.memory_space<vmem_shared>>
        tpu.wait_dma2 semaphore(%arg11 : memref<!tpu.dma_semaphore, #tpu.memory_space<semaphore_mem>>) src(%arg10 : memref<40x128xf32, #tpu.memory_space<vmem>>) dst(%dma_wait3A_304 : memref<40x128xf32, #tpu.memory_space<vmem_shared>>)
      } else {
      }
    }
    %scan3A_19 = arith.constant 16 : i32
    %barrier3A = arith.constant 0 : index
    tpu.barrier barrier_id(%barrier3A)
    %mul3A_20 = arith.constant 78 : i32
    %mul3A_21 = arith.muli %add3A, %mul3A_20 : i32
    %mul3A_22 = arith.constant 128 : i32
    %mul3A_23 = arith.muli %mul3A_21, %mul3A_22 : i32
    %broadcast_in_dim3A = arith.constant 1.000000e+00 : f32
    %broadcast_in_dim3A_24 = vector.broadcast %broadcast_in_dim3A : f32 to vector<16xf32>
    %add3A_25 = arith.constant 0 : i32
    %add3A_26 = arith.addi %mul3A_23, %add3A_25 : i32
    %dma_start3A = arith.constant 0 : i32
    %dma_start3A_27 = arith.constant 0 : i32
    %dma_start3A_28 = arith.constant 0 : i32
    %dma_start3A_29 = tpu.memref_slice %arg7[%dma_start3A, %dma_start3A_27, %dma_start3A_28] : memref<4x2x128xi32, #tpu.memory_space<vmem>> -> memref<1x2x128xi32, #tpu.memory_space<vmem>>
    %dma_start3A_30 = tpu.memref_squeeze %dma_start3A_29 : memref<1x2x128xi32, #tpu.memory_space<vmem>> -> memref<2x128xi32, #tpu.memory_space<vmem>>
    %dma_start3A_31 = arith.constant 0 : i32
    %dma_start3A_32 = tpu.memref_slice %arg2[%dma_start3A_31, %add3A_26] : memref<2x320000xi32, #tpu.memory_space<hbm>> -> memref<2x128xi32, #tpu.memory_space<hbm>>
    %dma_start3A_33 = arith.constant 0 : i32
    %dma_start3A_34 = arith.constant 0 : i32
    %dma_start3A_35 = tpu.memref_slice %arg7[%dma_start3A, %dma_start3A_33, %dma_start3A_34] : memref<4x2x128xi32, #tpu.memory_space<vmem>> -> memref<1x2x128xi32, #tpu.memory_space<vmem>>
    %dma_start3A_36 = tpu.memref_squeeze %dma_start3A_35 : memref<1x2x128xi32, #tpu.memory_space<vmem>> -> memref<2x128xi32, #tpu.memory_space<vmem>>
    %dma_start3A_37 = arith.constant 0 : i32
    %dma_start3A_38 = tpu.memref_slice %arg2[%dma_start3A_37, %add3A_26] : memref<2x320000xi32, #tpu.memory_space<hbm>> -> memref<2x128xi32, #tpu.memory_space<hbm>>
    tpu.enqueue_dma source(%dma_start3A_38 : memref<2x128xi32, #tpu.memory_space<hbm>>) target(%dma_start3A_36 : memref<2x128xi32, #tpu.memory_space<vmem>>) target_semaphore(%arg11 : memref<!tpu.dma_semaphore, #tpu.memory_space<semaphore_mem>>)
    %add3A_39 = arith.constant 128 : i32
    %add3A_40 = arith.addi %mul3A_23, %add3A_39 : i32
    %dma_start3A_41 = arith.constant 1 : i32
    %dma_start3A_42 = arith.constant 0 : i32
    %dma_start3A_43 = arith.constant 0 : i32
    %dma_start3A_44 = tpu.memref_slice %arg7[%dma_start3A_41, %dma_start3A_42, %dma_start3A_43] : memref<4x2x128xi32, #tpu.memory_space<vmem>> -> memref<1x2x128xi32, #tpu.memory_space<vmem>>
    %dma_start3A_45 = tpu.memref_squeeze %dma_start3A_44 : memref<1x2x128xi32, #tpu.memory_space<vmem>> -> memref<2x128xi32, #tpu.memory_space<vmem>>
    %dma_start3A_46 = arith.constant 0 : i32
    %dma_start3A_47 = tpu.memref_slice %arg2[%dma_start3A_46, %add3A_40] : memref<2x320000xi32, #tpu.memory_space<hbm>> -> memref<2x128xi32, #tpu.memory_space<hbm>>
    %dma_start3A_48 = arith.constant 0 : i32
    %dma_start3A_49 = arith.constant 0 : i32
    %dma_start3A_50 = tpu.memref_slice %arg7[%dma_start3A_41, %dma_start3A_48, %dma_start3A_49] : memref<4x2x128xi32, #tpu.memory_space<vmem>> -> memref<1x2x128xi32, #tpu.memory_space<vmem>>
    %dma_start3A_51 = tpu.memref_squeeze %dma_start3A_50 : memref<1x2x128xi32, #tpu.memory_space<vmem>> -> memref<2x128xi32, #tpu.memory_space<vmem>>
    %dma_start3A_52 = arith.constant 0 : i32
    %dma_start3A_53 = tpu.memref_slice %arg2[%dma_start3A_52, %add3A_40] : memref<2x320000xi32, #tpu.memory_space<hbm>> -> memref<2x128xi32, #tpu.memory_space<hbm>>
    tpu.enqueue_dma source(%dma_start3A_53 : memref<2x128xi32, #tpu.memory_space<hbm>>) target(%dma_start3A_51 : memref<2x128xi32, #tpu.memory_space<vmem>>) target_semaphore(%arg12 : memref<!tpu.dma_semaphore, #tpu.memory_space<semaphore_mem>>)
    %scan3A_54 = arith.constant 0 : i32
    %scan3A_55 = arith.constant 19 : i32
    %scan3A_56 = arith.addi %scan3A_54, %scan3A_55 : i32
    %scan3A_57 = arith.constant 1 : i32
    scf.for %scan3A_286 = %scan3A_54 to %scan3A_56 step %scan3A_57  : i32 {
      %mul3A_287 = arith.constant 4 : i32
      %mul3A_288 = arith.muli %scan3A_286, %mul3A_287 : i32
      %add3A_289 = arith.constant 0 : i32
      %add3A_290 = arith.addi %add3A_289, %mul3A_288 : i32
      %add3A_291 = arith.constant 0 : i32
      %add3A_292 = arith.addi %add3A_290, %add3A_291 : i32
      %mul3A_293 = arith.constant 128 : i32
      %mul3A_294 = arith.muli %add3A_292, %mul3A_293 : i32
      %add3A_295 = arith.addi %mul3A_23, %mul3A_294 : i32
      %dma_wait3A_296 = arith.constant 0 : i32
      %dma_wait3A_297 = arith.constant 0 : i32
      %dma_wait3A_298 = arith.constant 0 : i32
      %dma_wait3A_299 = tpu.memref_slice %arg7[%dma_wait3A_296, %dma_wait3A_297, %dma_wait3A_298] : memref<4x2x128xi32, #tpu.memory_space<vmem>> -> memref<1x2x128xi32, #tpu.memory_space<vmem>>
      %dma_wait3A_300 = tpu.memref_squeeze %dma_wait3A_299 : memref<1x2x128xi32, #tpu.memory_space<vmem>> -> memref<2x128xi32, #tpu.memory_space<vmem>>
      %dma_wait3A_301 = arith.constant 0 : i32
      %dma_wait3A_302 = tpu.memref_slice %arg2[%dma_wait3A_301, %add3A_295] : memref<2x320000xi32, #tpu.memory_space<hbm>> -> memref<2x128xi32, #tpu.memory_space<hbm>>
      %dma_wait3A_303 = arith.constant 0 : i32
      %dma_wait3A_304 = arith.constant 0 : i32
      %dma_wait3A_305 = tpu.memref_slice %arg7[%dma_wait3A_296, %dma_wait3A_303, %dma_wait3A_304] : memref<4x2x128xi32, #tpu.memory_space<vmem>> -> memref<1x2x128xi32, #tpu.memory_space<vmem>>
      %dma_wait3A_306 = tpu.memref_squeeze %dma_wait3A_305 : memref<1x2x128xi32, #tpu.memory_space<vmem>> -> memref<2x128xi32, #tpu.memory_space<vmem>>
      %dma_wait3A_307 = arith.constant 0 : i32
      %dma_wait3A_308 = tpu.memref_slice %arg2[%dma_wait3A_307, %add3A_295] : memref<2x320000xi32, #tpu.memory_space<hbm>> -> memref<2x128xi32, #tpu.memory_space<hbm>>
      tpu.wait_dma2 semaphore(%arg11 : memref<!tpu.dma_semaphore, #tpu.memory_space<semaphore_mem>>) src(%dma_wait3A_308 : memref<2x128xi32, #tpu.memory_space<hbm>>) dst(%dma_wait3A_306 : memref<2x128xi32, #tpu.memory_space<vmem>>)
      %ge3A = arith.constant 2 : i32
      %ge3A_309 = arith.cmpi sge, %add3A_292, %ge3A : i32
      %convert_element_type3A_310 = arith.extui %ge3A_309 : i1 to i32
      %cond3A_311 = arith.constant 0 : i32
      %cond3A_312 = arith.cmpi ne, %convert_element_type3A_310, %cond3A_311 : i32
      scf.if %cond3A_312 {
        %dma_wait3A_525 = arith.constant 0 : i32
        %dma_wait3A_526 = arith.constant 2 : i32
        %dma_wait3A_527 = arith.constant 1 : i32
        %dma_wait3A_528 = arith.constant 0 : i32
        %dma_wait3A_529 = arith.constant 0 : i32
        %dma_wait3A_530 = tpu.memref_slice %arg8[%dma_wait3A_525, %dma_wait3A_528, %dma_wait3A_529] : memref<2x128x128xf32, #tpu.memory_space<vmem>> -> memref<1x128x128xf32, #tpu.memory_space<vmem>>
        %dma_wait3A_531 = tpu.memref_squeeze %dma_wait3A_530 : memref<1x128x128xf32, #tpu.memory_space<vmem>> -> memref<128x128xf32, #tpu.memory_space<vmem>>
        %dma_wait3A_532 = arith.constant 0 : i32
        %dma_wait3A_533 = tpu.memref_slice %arg7[%dma_wait3A_526, %dma_wait3A_527, %dma_wait3A_532] : memref<4x2x128xi32, #tpu.memory_space<vmem>> -> memref<1x1x128xi32, #tpu.memory_space<vmem>>
        %dma_wait3A_534 = tpu.memref_squeeze %dma_wait3A_533 : memref<1x1x128xi32, #tpu.memory_space<vmem>> -> memref<128xi32, #tpu.memory_space<vmem>>
        %dma_wait3A_535 = arith.constant 0 : i32
        %dma_wait3A_536 = arith.constant 0 : i32
        %dma_wait3A_537 = tpu.memref_slice %arg6[%dma_wait3A_535, %dma_wait3A_536] : memref<10000x128xf32, #tpu.memory_space<vmem_shared>> -> memref<10000x128xf32, #tpu.memory_space<vmem_shared>>
        tpu.wait_indirect_dma semaphore(%arg15 : memref<!tpu.dma_semaphore, #tpu.memory_space<semaphore_mem>>) src(%dma_wait3A_531 : memref<128x128xf32, #tpu.memory_space<vmem>>) dst(%dma_wait3A_537 : memref<10000x128xf32, #tpu.memory_space<vmem_shared>>)
      } else {
      }
      %dma_start3A_313 = arith.constant 0 : i32
      %dma_start3A_314 = arith.constant 0 : i32
      %dma_start3A_315 = arith.constant 0 : i32
      %dma_start3A_316 = arith.constant 0 : i32
      %dma_start3A_317 = arith.constant 0 : i32
      %dma_start3A_318 = tpu.memref_slice %arg8[%dma_start3A_315, %dma_start3A_316, %dma_start3A_317] : memref<2x128x128xf32, #tpu.memory_space<vmem>> -> memref<1x128x128xf32, #tpu.memory_space<vmem>>
      %dma_start3A_319 = tpu.memref_squeeze %dma_start3A_318 : memref<1x128x128xf32, #tpu.memory_space<vmem>> -> memref<128x128xf32, #tpu.memory_space<vmem>>
      %dma_start3A_320 = arith.constant 0 : i32
      %dma_start3A_321 = tpu.memref_slice %arg7[%dma_start3A_313, %dma_start3A_314, %dma_start3A_320] : memref<4x2x128xi32, #tpu.memory_space<vmem>> -> memref<1x1x128xi32, #tpu.memory_space<vmem>>
      %dma_start3A_322 = tpu.memref_squeeze %dma_start3A_321 : memref<1x1x128xi32, #tpu.memory_space<vmem>> -> memref<128xi32, #tpu.memory_space<vmem>>
      %dma_start3A_323 = arith.constant 0 : i32
      %dma_start3A_324 = arith.constant 0 : i32
      %dma_start3A_325 = tpu.memref_slice %arg3[%dma_start3A_323, %dma_start3A_324] : memref<10000x128xf32, #tpu.memory_space<hbm>> -> memref<10000x128xf32, #tpu.memory_space<hbm>>
      tpu.enqueue_indirect_dma source(%dma_start3A_325 : memref<10000x128xf32, #tpu.memory_space<hbm>>) target(%dma_start3A_319 : memref<128x128xf32, #tpu.memory_space<vmem>>) offsets(%dma_start3A_322 : memref<128xi32, #tpu.memory_space<vmem>>) semaphore(%arg13 : memref<!tpu.dma_semaphore, #tpu.memory_space<semaphore_mem>>)
      %gt3A = arith.constant 0 : i32
      %gt3A_326 = arith.cmpi sgt, %add3A_292, %gt3A : i32
      %convert_element_type3A_327 = arith.extui %gt3A_326 : i1 to i32
      %cond3A_328 = arith.constant 0 : i32
      %cond3A_329 = arith.cmpi ne, %convert_element_type3A_327, %cond3A_328 : i32
      scf.if %cond3A_329 {
        %dma_wait3A_525 = arith.constant 3 : i32
        %dma_wait3A_526 = arith.constant 0 : i32
        %dma_wait3A_527 = arith.constant 1 : i32
        %dma_wait3A_528 = arith.constant 0 : i32
        %dma_wait3A_529 = arith.constant 0 : i32
        %dma_wait3A_530 = tpu.memref_slice %arg8[%dma_wait3A_527, %dma_wait3A_528, %dma_wait3A_529] : memref<2x128x128xf32, #tpu.memory_space<vmem>> -> memref<1x128x128xf32, #tpu.memory_space<vmem>>
        %dma_wait3A_531 = tpu.memref_squeeze %dma_wait3A_530 : memref<1x128x128xf32, #tpu.memory_space<vmem>> -> memref<128x128xf32, #tpu.memory_space<vmem>>
        %dma_wait3A_532 = arith.constant 0 : i32
        %dma_wait3A_533 = tpu.memref_slice %arg7[%dma_wait3A_525, %dma_wait3A_526, %dma_wait3A_532] : memref<4x2x128xi32, #tpu.memory_space<vmem>> -> memref<1x1x128xi32, #tpu.memory_space<vmem>>
        %dma_wait3A_534 = tpu.memref_squeeze %dma_wait3A_533 : memref<1x1x128xi32, #tpu.memory_space<vmem>> -> memref<128xi32, #tpu.memory_space<vmem>>
        %dma_wait3A_535 = arith.constant 0 : i32
        %dma_wait3A_536 = arith.constant 0 : i32
        %dma_wait3A_537 = tpu.memref_slice %arg3[%dma_wait3A_535, %dma_wait3A_536] : memref<10000x128xf32, #tpu.memory_space<hbm>> -> memref<10000x128xf32, #tpu.memory_space<hbm>>
        tpu.wait_indirect_dma semaphore(%arg14 : memref<!tpu.dma_semaphore, #tpu.memory_space<semaphore_mem>>) src(%dma_wait3A_537 : memref<10000x128xf32, #tpu.memory_space<hbm>>) dst(%dma_wait3A_531 : memref<128x128xf32, #tpu.memory_space<vmem>>)
        %dma_start3A_538 = arith.constant 1 : i32
        %dma_start3A_539 = arith.constant 3 : i32
        %dma_start3A_540 = arith.constant 1 : i32
        %dma_start3A_541 = arith.constant 0 : i32
        %dma_start3A_542 = arith.constant 0 : i32
        %dma_start3A_543 = tpu.memref_slice %arg8[%dma_start3A_538, %dma_start3A_541, %dma_start3A_542] : memref<2x128x128xf32, #tpu.memory_space<vmem>> -> memref<1x128x128xf32, #tpu.memory_space<vmem>>
        %dma_start3A_544 = tpu.memref_squeeze %dma_start3A_543 : memref<1x128x128xf32, #tpu.memory_space<vmem>> -> memref<128x128xf32, #tpu.memory_space<vmem>>
        %dma_start3A_545 = arith.constant 0 : i32
        %dma_start3A_546 = tpu.memref_slice %arg7[%dma_start3A_539, %dma_start3A_540, %dma_start3A_545] : memref<4x2x128xi32, #tpu.memory_space<vmem>> -> memref<1x1x128xi32, #tpu.memory_space<vmem>>
        %dma_start3A_547 = tpu.memref_squeeze %dma_start3A_546 : memref<1x1x128xi32, #tpu.memory_space<vmem>> -> memref<128xi32, #tpu.memory_space<vmem>>
        %dma_start3A_548 = arith.constant 0 : i32
        %dma_start3A_549 = arith.constant 0 : i32
        %dma_start3A_550 = tpu.memref_slice %arg6[%dma_start3A_548, %dma_start3A_549] : memref<10000x128xf32, #tpu.memory_space<vmem_shared>> -> memref<10000x128xf32, #tpu.memory_space<vmem_shared>>
        tpu.enqueue_indirect_dma source(%dma_start3A_544 : memref<128x128xf32, #tpu.memory_space<vmem>>) target(%dma_start3A_550 : memref<10000x128xf32, #tpu.memory_space<vmem_shared>>) offsets(%dma_start3A_547 : memref<128xi32, #tpu.memory_space<vmem>>) semaphore(%arg16 : memref<!tpu.dma_semaphore, #tpu.memory_space<semaphore_mem>>) {add = true}
        %scan3A_551 = arith.constant 3 : i32
        %scan3A_552 = arith.constant 1 : i32
        %scan3A_553 = arith.constant 0 : i32
        %scan3A_554 = arith.constant 8 : i32
        %scan3A_555 = arith.addi %scan3A_553, %scan3A_554 : i32
        %scan3A_556 = arith.constant 1 : i32
        scf.for %scan3A_558 = %scan3A_553 to %scan3A_555 step %scan3A_556  : i32 {
          %mul3A_559 = arith.constant 1 : i32
          %mul3A_560 = arith.muli %scan3A_558, %mul3A_559 : i32
          %add3A_561 = arith.constant 0 : i32
          %add3A_562 = arith.addi %add3A_561, %mul3A_560 : i32
          %mul3A_563 = arith.constant 16 : i32
          %mul3A_564 = arith.muli %add3A_562, %mul3A_563 : i32
          %get3A = arith.constant 0 : i32
          %get3A_565 = tpu.memref_slice %arg7[%scan3A_551, %scan3A_552, %get3A] : memref<4x2x128xi32, #tpu.memory_space<vmem>> -> memref<1x1x128xi32, #tpu.memory_space<vmem>>
          %get3A_566 = tpu.memref_squeeze %get3A_565 : memref<1x1x128xi32, #tpu.memory_space<vmem>> -> memref<128xi32, #tpu.memory_space<vmem>>
          %get3A_567 = arith.index_cast %mul3A_564 : i32 to index
          %get3A_568 = tpu.vector_load %get3A_566[%get3A_567] {strides = array<i32>} : memref<128xi32, #tpu.memory_space<vmem>>, vector<16xi32>,
          tpu.vector_store_idx %arg9[%get3A_568], %broadcast_in_dim3A_24 {add = true} : memref<10000xf32, #tpu.memory_space<vmem>>[vector<16xi32>], vector<16xf32>,
        }
        %scan3A_557 = arith.constant 8 : i32
      } else {
      }
      %add3A_330 = arith.constant 2 : i32
      %add3A_331 = arith.addi %add3A_292, %add3A_330 : i32
      %mul3A_332 = arith.constant 128 : i32
      %mul3A_333 = arith.muli %add3A_331, %mul3A_332 : i32
      %add3A_334 = arith.addi %mul3A_23, %mul3A_333 : i32
      %dma_start3A_335 = arith.constant 2 : i32
      %dma_start3A_336 = arith.constant 0 : i32
      %dma_start3A_337 = arith.constant 0 : i32
      %dma_start3A_338 = tpu.memref_slice %arg7[%dma_start3A_335, %dma_start3A_336, %dma_start3A_337] : memref<4x2x128xi32, #tpu.memory_space<vmem>> -> memref<1x2x128xi32, #tpu.memory_space<vmem>>
      %dma_start3A_339 = tpu.memref_squeeze %dma_start3A_338 : memref<1x2x128xi32, #tpu.memory_space<vmem>> -> memref<2x128xi32, #tpu.memory_space<vmem>>
      %dma_start3A_340 = arith.constant 0 : i32
      %dma_start3A_341 = tpu.memref_slice %arg2[%dma_start3A_340, %add3A_334] : memref<2x320000xi32, #tpu.memory_space<hbm>> -> memref<2x128xi32, #tpu.memory_space<hbm>>
      %dma_start3A_342 = arith.constant 0 : i32
      %dma_start3A_343 = arith.constant 0 : i32
      %dma_start3A_344 = tpu.memref_slice %arg7[%dma_start3A_335, %dma_start3A_342, %dma_start3A_343] : memref<4x2x128xi32, #tpu.memory_space<vmem>> -> memref<1x2x128xi32, #tpu.memory_space<vmem>>
      %dma_start3A_345 = tpu.memref_squeeze %dma_start3A_344 : memref<1x2x128xi32, #tpu.memory_space<vmem>> -> memref<2x128xi32, #tpu.memory_space<vmem>>
      %dma_start3A_346 = arith.constant 0 : i32
      %dma_start3A_347 = tpu.memref_slice %arg2[%dma_start3A_346, %add3A_334] : memref<2x320000xi32, #tpu.memory_space<hbm>> -> memref<2x128xi32, #tpu.memory_space<hbm>>
      tpu.enqueue_dma source(%dma_start3A_347 : memref<2x128xi32, #tpu.memory_space<hbm>>) target(%dma_start3A_345 : memref<2x128xi32, #tpu.memory_space<vmem>>) target_semaphore(%arg11 : memref<!tpu.dma_semaphore, #tpu.memory_space<semaphore_mem>>)
      %add3A_348 = arith.constant 1 : i32
      %add3A_349 = arith.addi %add3A_290, %add3A_348 : i32
      %mul3A_350 = arith.constant 128 : i32
      %mul3A_351 = arith.muli %add3A_349, %mul3A_350 : i32
      %add3A_352 = arith.addi %mul3A_23, %mul3A_351 : i32
      %dma_wait3A_353 = arith.constant 1 : i32
      %dma_wait3A_354 = arith.constant 0 : i32
      %dma_wait3A_355 = arith.constant 0 : i32
      %dma_wait3A_356 = tpu.memref_slice %arg7[%dma_wait3A_353, %dma_wait3A_354, %dma_wait3A_355] : memref<4x2x128xi32, #tpu.memory_space<vmem>> -> memref<1x2x128xi32, #tpu.memory_space<vmem>>
      %dma_wait3A_357 = tpu.memref_squeeze %dma_wait3A_356 : memref<1x2x128xi32, #tpu.memory_space<vmem>> -> memref<2x128xi32, #tpu.memory_space<vmem>>
      %dma_wait3A_358 = arith.constant 0 : i32
      %dma_wait3A_359 = tpu.memref_slice %arg2[%dma_wait3A_358, %add3A_352] : memref<2x320000xi32, #tpu.memory_space<hbm>> -> memref<2x128xi32, #tpu.memory_space<hbm>>
      %dma_wait3A_360 = arith.constant 0 : i32
      %dma_wait3A_361 = arith.constant 0 : i32
      %dma_wait3A_362 = tpu.memref_slice %arg7[%dma_wait3A_353, %dma_wait3A_360, %dma_wait3A_361] : memref<4x2x128xi32, #tpu.memory_space<vmem>> -> memref<1x2x128xi32, #tpu.memory_space<vmem>>
      %dma_wait3A_363 = tpu.memref_squeeze %dma_wait3A_362 : memref<1x2x128xi32, #tpu.memory_space<vmem>> -> memref<2x128xi32, #tpu.memory_space<vmem>>
      %dma_wait3A_364 = arith.constant 0 : i32
      %dma_wait3A_365 = tpu.memref_slice %arg2[%dma_wait3A_364, %add3A_352] : memref<2x320000xi32, #tpu.memory_space<hbm>> -> memref<2x128xi32, #tpu.memory_space<hbm>>
      tpu.wait_dma2 semaphore(%arg12 : memref<!tpu.dma_semaphore, #tpu.memory_space<semaphore_mem>>) src(%dma_wait3A_365 : memref<2x128xi32, #tpu.memory_space<hbm>>) dst(%dma_wait3A_363 : memref<2x128xi32, #tpu.memory_space<vmem>>)
      %ge3A_366 = arith.constant 2 : i32
      %ge3A_367 = arith.cmpi sge, %add3A_349, %ge3A_366 : i32
      %convert_element_type3A_368 = arith.extui %ge3A_367 : i1 to i32
      %cond3A_369 = arith.constant 0 : i32
      %cond3A_370 = arith.cmpi ne, %convert_element_type3A_368, %cond3A_369 : i32
      scf.if %cond3A_370 {
        %dma_wait3A_525 = arith.constant 1 : i32
        %dma_wait3A_526 = arith.constant 3 : i32
        %dma_wait3A_527 = arith.constant 1 : i32
        %dma_wait3A_528 = arith.constant 0 : i32
        %dma_wait3A_529 = arith.constant 0 : i32
        %dma_wait3A_530 = tpu.memref_slice %arg8[%dma_wait3A_525, %dma_wait3A_528, %dma_wait3A_529] : memref<2x128x128xf32, #tpu.memory_space<vmem>> -> memref<1x128x128xf32, #tpu.memory_space<vmem>>
        %dma_wait3A_531 = tpu.memref_squeeze %dma_wait3A_530 : memref<1x128x128xf32, #tpu.memory_space<vmem>> -> memref<128x128xf32, #tpu.memory_space<vmem>>
        %dma_wait3A_532 = arith.constant 0 : i32
        %dma_wait3A_533 = tpu.memref_slice %arg7[%dma_wait3A_526, %dma_wait3A_527, %dma_wait3A_532] : memref<4x2x128xi32, #tpu.memory_space<vmem>> -> memref<1x1x128xi32, #tpu.memory_space<vmem>>
        %dma_wait3A_534 = tpu.memref_squeeze %dma_wait3A_533 : memref<1x1x128xi32, #tpu.memory_space<vmem>> -> memref<128xi32, #tpu.memory_space<vmem>>
        %dma_wait3A_535 = arith.constant 0 : i32
        %dma_wait3A_536 = arith.constant 0 : i32
        %dma_wait3A_537 = tpu.memref_slice %arg6[%dma_wait3A_535, %dma_wait3A_536] : memref<10000x128xf32, #tpu.memory_space<vmem_shared>> -> memref<10000x128xf32, #tpu.memory_space<vmem_shared>>
        tpu.wait_indirect_dma semaphore(%arg16 : memref<!tpu.dma_semaphore, #tpu.memory_space<semaphore_mem>>) src(%dma_wait3A_531 : memref<128x128xf32, #tpu.memory_space<vmem>>) dst(%dma_wait3A_537 : memref<10000x128xf32, #tpu.memory_space<vmem_shared>>)
      } else {
      }
      %dma_start3A_371 = arith.constant 1 : i32
      %dma_start3A_372 = arith.constant 0 : i32
      %dma_start3A_373 = arith.constant 1 : i32
      %dma_start3A_374 = arith.constant 0 : i32
      %dma_start3A_375 = arith.constant 0 : i32
      %dma_start3A_376 = tpu.memref_slice %arg8[%dma_start3A_373, %dma_start3A_374, %dma_start3A_375] : memref<2x128x128xf32, #tpu.memory_space<vmem>> -> memref<1x128x128xf32, #tpu.memory_space<vmem>>
      %dma_start3A_377 = tpu.memref_squeeze %dma_start3A_376 : memref<1x128x128xf32, #tpu.memory_space<vmem>> -> memref<128x128xf32, #tpu.memory_space<vmem>>
      %dma_start3A_378 = arith.constant 0 : i32
      %dma_start3A_379 = tpu.memref_slice %arg7[%dma_start3A_371, %dma_start3A_372, %dma_start3A_378] : memref<4x2x128xi32, #tpu.memory_space<vmem>> -> memref<1x1x128xi32, #tpu.memory_space<vmem>>
      %dma_start3A_380 = tpu.memref_squeeze %dma_start3A_379 : memref<1x1x128xi32, #tpu.memory_space<vmem>> -> memref<128xi32, #tpu.memory_space<vmem>>
      %dma_start3A_381 = arith.constant 0 : i32
      %dma_start3A_382 = arith.constant 0 : i32
      %dma_start3A_383 = tpu.memref_slice %arg3[%dma_start3A_381, %dma_start3A_382] : memref<10000x128xf32, #tpu.memory_space<hbm>> -> memref<10000x128xf32, #tpu.memory_space<hbm>>
      tpu.enqueue_indirect_dma source(%dma_start3A_383 : memref<10000x128xf32, #tpu.memory_space<hbm>>) target(%dma_start3A_377 : memref<128x128xf32, #tpu.memory_space<vmem>>) offsets(%dma_start3A_380 : memref<128xi32, #tpu.memory_space<vmem>>) semaphore(%arg14 : memref<!tpu.dma_semaphore, #tpu.memory_space<semaphore_mem>>)
      %gt3A_384 = arith.constant 0 : i32
      %gt3A_385 = arith.cmpi sgt, %add3A_349, %gt3A_384 : i32
      %convert_element_type3A_386 = arith.extui %gt3A_385 : i1 to i32
      %cond3A_387 = arith.constant 0 : i32
      %cond3A_388 = arith.cmpi ne, %convert_element_type3A_386, %cond3A_387 : i32
      scf.if %cond3A_388 {
        %dma_wait3A_525 = arith.constant 0 : i32
        %dma_wait3A_526 = arith.constant 0 : i32
        %dma_wait3A_527 = arith.constant 0 : i32
        %dma_wait3A_528 = arith.constant 0 : i32
        %dma_wait3A_529 = arith.constant 0 : i32
        %dma_wait3A_530 = tpu.memref_slice %arg8[%dma_wait3A_527, %dma_wait3A_528, %dma_wait3A_529] : memref<2x128x128xf32, #tpu.memory_space<vmem>> -> memref<1x128x128xf32, #tpu.memory_space<vmem>>
        %dma_wait3A_531 = tpu.memref_squeeze %dma_wait3A_530 : memref<1x128x128xf32, #tpu.memory_space<vmem>> -> memref<128x128xf32, #tpu.memory_space<vmem>>
        %dma_wait3A_532 = arith.constant 0 : i32
        %dma_wait3A_533 = tpu.memref_slice %arg7[%dma_wait3A_525, %dma_wait3A_526, %dma_wait3A_532] : memref<4x2x128xi32, #tpu.memory_space<vmem>> -> memref<1x1x128xi32, #tpu.memory_space<vmem>>
        %dma_wait3A_534 = tpu.memref_squeeze %dma_wait3A_533 : memref<1x1x128xi32, #tpu.memory_space<vmem>> -> memref<128xi32, #tpu.memory_space<vmem>>
        %dma_wait3A_535 = arith.constant 0 : i32
        %dma_wait3A_536 = arith.constant 0 : i32
        %dma_wait3A_537 = tpu.memref_slice %arg3[%dma_wait3A_535, %dma_wait3A_536] : memref<10000x128xf32, #tpu.memory_space<hbm>> -> memref<10000x128xf32, #tpu.memory_space<hbm>>
        tpu.wait_indirect_dma semaphore(%arg13 : memref<!tpu.dma_semaphore, #tpu.memory_space<semaphore_mem>>) src(%dma_wait3A_537 : memref<10000x128xf32, #tpu.memory_space<hbm>>) dst(%dma_wait3A_531 : memref<128x128xf32, #tpu.memory_space<vmem>>)
        %dma_start3A_538 = arith.constant 0 : i32
        %dma_start3A_539 = arith.constant 0 : i32
        %dma_start3A_540 = arith.constant 1 : i32
        %dma_start3A_541 = arith.constant 0 : i32
        %dma_start3A_542 = arith.constant 0 : i32
        %dma_start3A_543 = tpu.memref_slice %arg8[%dma_start3A_538, %dma_start3A_541, %dma_start3A_542] : memref<2x128x128xf32, #tpu.memory_space<vmem>> -> memref<1x128x128xf32, #tpu.memory_space<vmem>>
        %dma_start3A_544 = tpu.memref_squeeze %dma_start3A_543 : memref<1x128x128xf32, #tpu.memory_space<vmem>> -> memref<128x128xf32, #tpu.memory_space<vmem>>
        %dma_start3A_545 = arith.constant 0 : i32
        %dma_start3A_546 = tpu.memref_slice %arg7[%dma_start3A_539, %dma_start3A_540, %dma_start3A_545] : memref<4x2x128xi32, #tpu.memory_space<vmem>> -> memref<1x1x128xi32, #tpu.memory_space<vmem>>
        %dma_start3A_547 = tpu.memref_squeeze %dma_start3A_546 : memref<1x1x128xi32, #tpu.memory_space<vmem>> -> memref<128xi32, #tpu.memory_space<vmem>>
        %dma_start3A_548 = arith.constant 0 : i32
        %dma_start3A_549 = arith.constant 0 : i32
        %dma_start3A_550 = tpu.memref_slice %arg6[%dma_start3A_548, %dma_start3A_549] : memref<10000x128xf32, #tpu.memory_space<vmem_shared>> -> memref<10000x128xf32, #tpu.memory_space<vmem_shared>>
        tpu.enqueue_indirect_dma source(%dma_start3A_544 : memref<128x128xf32, #tpu.memory_space<vmem>>) target(%dma_start3A_550 : memref<10000x128xf32, #tpu.memory_space<vmem_shared>>) offsets(%dma_start3A_547 : memref<128xi32, #tpu.memory_space<vmem>>) semaphore(%arg15 : memref<!tpu.dma_semaphore, #tpu.memory_space<semaphore_mem>>) {add = true}
        %scan3A_551 = arith.constant 0 : i32
        %scan3A_552 = arith.constant 1 : i32
        %scan3A_553 = arith.constant 0 : i32
        %scan3A_554 = arith.constant 8 : i32
        %scan3A_555 = arith.addi %scan3A_553, %scan3A_554 : i32
        %scan3A_556 = arith.constant 1 : i32
        scf.for %scan3A_558 = %scan3A_553 to %scan3A_555 step %scan3A_556  : i32 {
          %mul3A_559 = arith.constant 1 : i32
          %mul3A_560 = arith.muli %scan3A_558, %mul3A_559 : i32
          %add3A_561 = arith.constant 0 : i32
          %add3A_562 = arith.addi %add3A_561, %mul3A_560 : i32
          %mul3A_563 = arith.constant 16 : i32
          %mul3A_564 = arith.muli %add3A_562, %mul3A_563 : i32
          %get3A = arith.constant 0 : i32
          %get3A_565 = tpu.memref_slice %arg7[%scan3A_551, %scan3A_552, %get3A] : memref<4x2x128xi32, #tpu.memory_space<vmem>> -> memref<1x1x128xi32, #tpu.memory_space<vmem>>
          %get3A_566 = tpu.memref_squeeze %get3A_565 : memref<1x1x128xi32, #tpu.memory_space<vmem>> -> memref<128xi32, #tpu.memory_space<vmem>>
          %get3A_567 = arith.index_cast %mul3A_564 : i32 to index
          %get3A_568 = tpu.vector_load %get3A_566[%get3A_567] {strides = array<i32>} : memref<128xi32, #tpu.memory_space<vmem>>, vector<16xi32>,
          tpu.vector_store_idx %arg9[%get3A_568], %broadcast_in_dim3A_24 {add = true} : memref<10000xf32, #tpu.memory_space<vmem>>[vector<16xi32>], vector<16xf32>,
        }
        %scan3A_557 = arith.constant 8 : i32
      } else {
      }
      %add3A_389 = arith.constant 2 : i32
      %add3A_390 = arith.addi %add3A_349, %add3A_389 : i32
      %mul3A_391 = arith.constant 128 : i32
      %mul3A_392 = arith.muli %add3A_390, %mul3A_391 : i32
      %add3A_393 = arith.addi %mul3A_23, %mul3A_392 : i32
      %dma_start3A_394 = arith.constant 3 : i32
      %dma_start3A_395 = arith.constant 0 : i32
      %dma_start3A_396 = arith.constant 0 : i32
      %dma_start3A_397 = tpu.memref_slice %arg7[%dma_start3A_394, %dma_start3A_395, %dma_start3A_396] : memref<4x2x128xi32, #tpu.memory_space<vmem>> -> memref<1x2x128xi32, #tpu.memory_space<vmem>>
      %dma_start3A_398 = tpu.memref_squeeze %dma_start3A_397 : memref<1x2x128xi32, #tpu.memory_space<vmem>> -> memref<2x128xi32, #tpu.memory_space<vmem>>
      %dma_start3A_399 = arith.constant 0 : i32
      %dma_start3A_400 = tpu.memref_slice %arg2[%dma_start3A_399, %add3A_393] : memref<2x320000xi32, #tpu.memory_space<hbm>> -> memref<2x128xi32, #tpu.memory_space<hbm>>
      %dma_start3A_401 = arith.constant 0 : i32
      %dma_start3A_402 = arith.constant 0 : i32
      %dma_start3A_403 = tpu.memref_slice %arg7[%dma_start3A_394, %dma_start3A_401, %dma_start3A_402] : memref<4x2x128xi32, #tpu.memory_space<vmem>> -> memref<1x2x128xi32, #tpu.memory_space<vmem>>
      %dma_start3A_404 = tpu.memref_squeeze %dma_start3A_403 : memref<1x2x128xi32, #tpu.memory_space<vmem>> -> memref<2x128xi32, #tpu.memory_space<vmem>>
      %dma_start3A_405 = arith.constant 0 : i32
      %dma_start3A_406 = tpu.memref_slice %arg2[%dma_start3A_405, %add3A_393] : memref<2x320000xi32, #tpu.memory_space<hbm>> -> memref<2x128xi32, #tpu.memory_space<hbm>>
      tpu.enqueue_dma source(%dma_start3A_406 : memref<2x128xi32, #tpu.memory_space<hbm>>) target(%dma_start3A_404 : memref<2x128xi32, #tpu.memory_space<vmem>>) target_semaphore(%arg12 : memref<!tpu.dma_semaphore, #tpu.memory_space<semaphore_mem>>)
      %add3A_407 = arith.constant 2 : i32
      %add3A_408 = arith.addi %add3A_290, %add3A_407 : i32
      %mul3A_409 = arith.constant 128 : i32
      %mul3A_410 = arith.muli %add3A_408, %mul3A_409 : i32
      %add3A_411 = arith.addi %mul3A_23, %mul3A_410 : i32
      %dma_wait3A_412 = arith.constant 2 : i32
      %dma_wait3A_413 = arith.constant 0 : i32
      %dma_wait3A_414 = arith.constant 0 : i32
      %dma_wait3A_415 = tpu.memref_slice %arg7[%dma_wait3A_412, %dma_wait3A_413, %dma_wait3A_414] : memref<4x2x128xi32, #tpu.memory_space<vmem>> -> memref<1x2x128xi32, #tpu.memory_space<vmem>>
      %dma_wait3A_416 = tpu.memref_squeeze %dma_wait3A_415 : memref<1x2x128xi32, #tpu.memory_space<vmem>> -> memref<2x128xi32, #tpu.memory_space<vmem>>
      %dma_wait3A_417 = arith.constant 0 : i32
      %dma_wait3A_418 = tpu.memref_slice %arg2[%dma_wait3A_417, %add3A_411] : memref<2x320000xi32, #tpu.memory_space<hbm>> -> memref<2x128xi32, #tpu.memory_space<hbm>>
      %dma_wait3A_419 = arith.constant 0 : i32
      %dma_wait3A_420 = arith.constant 0 : i32
      %dma_wait3A_421 = tpu.memref_slice %arg7[%dma_wait3A_412, %dma_wait3A_419, %dma_wait3A_420] : memref<4x2x128xi32, #tpu.memory_space<vmem>> -> memref<1x2x128xi32, #tpu.memory_space<vmem>>
      %dma_wait3A_422 = tpu.memref_squeeze %dma_wait3A_421 : memref<1x2x128xi32, #tpu.memory_space<vmem>> -> memref<2x128xi32, #tpu.memory_space<vmem>>
      %dma_wait3A_423 = arith.constant 0 : i32
      %dma_wait3A_424 = tpu.memref_slice %arg2[%dma_wait3A_423, %add3A_411] : memref<2x320000xi32, #tpu.memory_space<hbm>> -> memref<2x128xi32, #tpu.memory_space<hbm>>
      tpu.wait_dma2 semaphore(%arg11 : memref<!tpu.dma_semaphore, #tpu.memory_space<semaphore_mem>>) src(%dma_wait3A_424 : memref<2x128xi32, #tpu.memory_space<hbm>>) dst(%dma_wait3A_422 : memref<2x128xi32, #tpu.memory_space<vmem>>)
      %ge3A_425 = arith.constant 2 : i32
      %ge3A_426 = arith.cmpi sge, %add3A_408, %ge3A_425 : i32
      %convert_element_type3A_427 = arith.extui %ge3A_426 : i1 to i32
      %cond3A_428 = arith.constant 0 : i32
      %cond3A_429 = arith.cmpi ne, %convert_element_type3A_427, %cond3A_428 : i32
      scf.if %cond3A_429 {
        %dma_wait3A_525 = arith.constant 0 : i32
        %dma_wait3A_526 = arith.constant 0 : i32
        %dma_wait3A_527 = arith.constant 1 : i32
        %dma_wait3A_528 = arith.constant 0 : i32
        %dma_wait3A_529 = arith.constant 0 : i32
        %dma_wait3A_530 = tpu.memref_slice %arg8[%dma_wait3A_525, %dma_wait3A_528, %dma_wait3A_529] : memref<2x128x128xf32, #tpu.memory_space<vmem>> -> memref<1x128x128xf32, #tpu.memory_space<vmem>>
        %dma_wait3A_531 = tpu.memref_squeeze %dma_wait3A_530 : memref<1x128x128xf32, #tpu.memory_space<vmem>> -> memref<128x128xf32, #tpu.memory_space<vmem>>
        %dma_wait3A_532 = arith.constant 0 : i32
        %dma_wait3A_533 = tpu.memref_slice %arg7[%dma_wait3A_526, %dma_wait3A_527, %dma_wait3A_532] : memref<4x2x128xi32, #tpu.memory_space<vmem>> -> memref<1x1x128xi32, #tpu.memory_space<vmem>>
        %dma_wait3A_534 = tpu.memref_squeeze %dma_wait3A_533 : memref<1x1x128xi32, #tpu.memory_space<vmem>> -> memref<128xi32, #tpu.memory_space<vmem>>
        %dma_wait3A_535 = arith.constant 0 : i32
        %dma_wait3A_536 = arith.constant 0 : i32
        %dma_wait3A_537 = tpu.memref_slice %arg6[%dma_wait3A_535, %dma_wait3A_536] : memref<10000x128xf32, #tpu.memory_space<vmem_shared>> -> memref<10000x128xf32, #tpu.memory_space<vmem_shared>>
        tpu.wait_indirect_dma semaphore(%arg15 : memref<!tpu.dma_semaphore, #tpu.memory_space<semaphore_mem>>) src(%dma_wait3A_531 : memref<128x128xf32, #tpu.memory_space<vmem>>) dst(%dma_wait3A_537 : memref<10000x128xf32, #tpu.memory_space<vmem_shared>>)
      } else {
      }
      %dma_start3A_430 = arith.constant 2 : i32
      %dma_start3A_431 = arith.constant 0 : i32
      %dma_start3A_432 = arith.constant 0 : i32
      %dma_start3A_433 = arith.constant 0 : i32
      %dma_start3A_434 = arith.constant 0 : i32
      %dma_start3A_435 = tpu.memref_slice %arg8[%dma_start3A_432, %dma_start3A_433, %dma_start3A_434] : memref<2x128x128xf32, #tpu.memory_space<vmem>> -> memref<1x128x128xf32, #tpu.memory_space<vmem>>
      %dma_start3A_436 = tpu.memref_squeeze %dma_start3A_435 : memref<1x128x128xf32, #tpu.memory_space<vmem>> -> memref<128x128xf32, #tpu.memory_space<vmem>>
      %dma_start3A_437 = arith.constant 0 : i32
      %dma_start3A_438 = tpu.memref_slice %arg7[%dma_start3A_430, %dma_start3A_431, %dma_start3A_437] : memref<4x2x128xi32, #tpu.memory_space<vmem>> -> memref<1x1x128xi32, #tpu.memory_space<vmem>>
      %dma_start3A_439 = tpu.memref_squeeze %dma_start3A_438 : memref<1x1x128xi32, #tpu.memory_space<vmem>> -> memref<128xi32, #tpu.memory_space<vmem>>
      %dma_start3A_440 = arith.constant 0 : i32
      %dma_start3A_441 = arith.constant 0 : i32
      %dma_start3A_442 = tpu.memref_slice %arg3[%dma_start3A_440, %dma_start3A_441] : memref<10000x128xf32, #tpu.memory_space<hbm>> -> memref<10000x128xf32, #tpu.memory_space<hbm>>
      tpu.enqueue_indirect_dma source(%dma_start3A_442 : memref<10000x128xf32, #tpu.memory_space<hbm>>) target(%dma_start3A_436 : memref<128x128xf32, #tpu.memory_space<vmem>>) offsets(%dma_start3A_439 : memref<128xi32, #tpu.memory_space<vmem>>) semaphore(%arg13 : memref<!tpu.dma_semaphore, #tpu.memory_space<semaphore_mem>>)
      %gt3A_443 = arith.constant 0 : i32
      %gt3A_444 = arith.cmpi sgt, %add3A_408, %gt3A_443 : i32
      %convert_element_type3A_445 = arith.extui %gt3A_444 : i1 to i32
      %cond3A_446 = arith.constant 0 : i32
      %cond3A_447 = arith.cmpi ne, %convert_element_type3A_445, %cond3A_446 : i32
      scf.if %cond3A_447 {
        %dma_wait3A_525 = arith.constant 1 : i32
        %dma_wait3A_526 = arith.constant 0 : i32
        %dma_wait3A_527 = arith.constant 1 : i32
        %dma_wait3A_528 = arith.constant 0 : i32
        %dma_wait3A_529 = arith.constant 0 : i32
        %dma_wait3A_530 = tpu.memref_slice %arg8[%dma_wait3A_527, %dma_wait3A_528, %dma_wait3A_529] : memref<2x128x128xf32, #tpu.memory_space<vmem>> -> memref<1x128x128xf32, #tpu.memory_space<vmem>>
        %dma_wait3A_531 = tpu.memref_squeeze %dma_wait3A_530 : memref<1x128x128xf32, #tpu.memory_space<vmem>> -> memref<128x128xf32, #tpu.memory_space<vmem>>
        %dma_wait3A_532 = arith.constant 0 : i32
        %dma_wait3A_533 = tpu.memref_slice %arg7[%dma_wait3A_525, %dma_wait3A_526, %dma_wait3A_532] : memref<4x2x128xi32, #tpu.memory_space<vmem>> -> memref<1x1x128xi32, #tpu.memory_space<vmem>>
        %dma_wait3A_534 = tpu.memref_squeeze %dma_wait3A_533 : memref<1x1x128xi32, #tpu.memory_space<vmem>> -> memref<128xi32, #tpu.memory_space<vmem>>
        %dma_wait3A_535 = arith.constant 0 : i32
        %dma_wait3A_536 = arith.constant 0 : i32
        %dma_wait3A_537 = tpu.memref_slice %arg3[%dma_wait3A_535, %dma_wait3A_536] : memref<10000x128xf32, #tpu.memory_space<hbm>> -> memref<10000x128xf32, #tpu.memory_space<hbm>>
        tpu.wait_indirect_dma semaphore(%arg14 : memref<!tpu.dma_semaphore, #tpu.memory_space<semaphore_mem>>) src(%dma_wait3A_537 : memref<10000x128xf32, #tpu.memory_space<hbm>>) dst(%dma_wait3A_531 : memref<128x128xf32, #tpu.memory_space<vmem>>)
        %dma_start3A_538 = arith.constant 1 : i32
        %dma_start3A_539 = arith.constant 1 : i32
        %dma_start3A_540 = arith.constant 1 : i32
        %dma_start3A_541 = arith.constant 0 : i32
        %dma_start3A_542 = arith.constant 0 : i32
        %dma_start3A_543 = tpu.memref_slice %arg8[%dma_start3A_538, %dma_start3A_541, %dma_start3A_542] : memref<2x128x128xf32, #tpu.memory_space<vmem>> -> memref<1x128x128xf32, #tpu.memory_space<vmem>>
        %dma_start3A_544 = tpu.memref_squeeze %dma_start3A_543 : memref<1x128x128xf32, #tpu.memory_space<vmem>> -> memref<128x128xf32, #tpu.memory_space<vmem>>
        %dma_start3A_545 = arith.constant 0 : i32
        %dma_start3A_546 = tpu.memref_slice %arg7[%dma_start3A_539, %dma_start3A_540, %dma_start3A_545] : memref<4x2x128xi32, #tpu.memory_space<vmem>> -> memref<1x1x128xi32, #tpu.memory_space<vmem>>
        %dma_start3A_547 = tpu.memref_squeeze %dma_start3A_546 : memref<1x1x128xi32, #tpu.memory_space<vmem>> -> memref<128xi32, #tpu.memory_space<vmem>>
        %dma_start3A_548 = arith.constant 0 : i32
        %dma_start3A_549 = arith.constant 0 : i32
        %dma_start3A_550 = tpu.memref_slice %arg6[%dma_start3A_548, %dma_start3A_549] : memref<10000x128xf32, #tpu.memory_space<vmem_shared>> -> memref<10000x128xf32, #tpu.memory_space<vmem_shared>>
        tpu.enqueue_indirect_dma source(%dma_start3A_544 : memref<128x128xf32, #tpu.memory_space<vmem>>) target(%dma_start3A_550 : memref<10000x128xf32, #tpu.memory_space<vmem_shared>>) offsets(%dma_start3A_547 : memref<128xi32, #tpu.memory_space<vmem>>) semaphore(%arg16 : memref<!tpu.dma_semaphore, #tpu.memory_space<semaphore_mem>>) {add = true}
        %scan3A_551 = arith.constant 1 : i32
        %scan3A_552 = arith.constant 1 : i32
        %scan3A_553 = arith.constant 0 : i32
        %scan3A_554 = arith.constant 8 : i32
        %scan3A_555 = arith.addi %scan3A_553, %scan3A_554 : i32
        %scan3A_556 = arith.constant 1 : i32
        scf.for %scan3A_558 = %scan3A_553 to %scan3A_555 step %scan3A_556  : i32 {
          %mul3A_559 = arith.constant 1 : i32
          %mul3A_560 = arith.muli %scan3A_558, %mul3A_559 : i32
          %add3A_561 = arith.constant 0 : i32
          %add3A_562 = arith.addi %add3A_561, %mul3A_560 : i32
          %mul3A_563 = arith.constant 16 : i32
          %mul3A_564 = arith.muli %add3A_562, %mul3A_563 : i32
          %get3A = arith.constant 0 : i32
          %get3A_565 = tpu.memref_slice %arg7[%scan3A_551, %scan3A_552, %get3A] : memref<4x2x128xi32, #tpu.memory_space<vmem>> -> memref<1x1x128xi32, #tpu.memory_space<vmem>>
          %get3A_566 = tpu.memref_squeeze %get3A_565 : memref<1x1x128xi32, #tpu.memory_space<vmem>> -> memref<128xi32, #tpu.memory_space<vmem>>
          %get3A_567 = arith.index_cast %mul3A_564 : i32 to index
          %get3A_568 = tpu.vector_load %get3A_566[%get3A_567] {strides = array<i32>} : memref<128xi32, #tpu.memory_space<vmem>>, vector<16xi32>,
          tpu.vector_store_idx %arg9[%get3A_568], %broadcast_in_dim3A_24 {add = true} : memref<10000xf32, #tpu.memory_space<vmem>>[vector<16xi32>], vector<16xf32>,
        }
        %scan3A_557 = arith.constant 8 : i32
      } else {
      }
      %add3A_448 = arith.constant 2 : i32
      %add3A_449 = arith.addi %add3A_408, %add3A_448 : i32
      %mul3A_450 = arith.constant 128 : i32
      %mul3A_451 = arith.muli %add3A_449, %mul3A_450 : i32
      %add3A_452 = arith.addi %mul3A_23, %mul3A_451 : i32
      %dma_start3A_453 = arith.constant 0 : i32
      %dma_start3A_454 = arith.constant 0 : i32
      %dma_start3A_455 = arith.constant 0 : i32
      %dma_start3A_456 = tpu.memref_slice %arg7[%dma_start3A_453, %dma_start3A_454, %dma_start3A_455] : memref<4x2x128xi32, #tpu.memory_space<vmem>> -> memref<1x2x128xi32, #tpu.memory_space<vmem>>
      %dma_start3A_457 = tpu.memref_squeeze %dma_start3A_456 : memref<1x2x128xi32, #tpu.memory_space<vmem>> -> memref<2x128xi32, #tpu.memory_space<vmem>>
      %dma_start3A_458 = arith.constant 0 : i32
      %dma_start3A_459 = tpu.memref_slice %arg2[%dma_start3A_458, %add3A_452] : memref<2x320000xi32, #tpu.memory_space<hbm>> -> memref<2x128xi32, #tpu.memory_space<hbm>>
      %dma_start3A_460 = arith.constant 0 : i32
      %dma_start3A_461 = arith.constant 0 : i32
      %dma_start3A_462 = tpu.memref_slice %arg7[%dma_start3A_453, %dma_start3A_460, %dma_start3A_461] : memref<4x2x128xi32, #tpu.memory_space<vmem>> -> memref<1x2x128xi32, #tpu.memory_space<vmem>>
      %dma_start3A_463 = tpu.memref_squeeze %dma_start3A_462 : memref<1x2x128xi32, #tpu.memory_space<vmem>> -> memref<2x128xi32, #tpu.memory_space<vmem>>
      %dma_start3A_464 = arith.constant 0 : i32
      %dma_start3A_465 = tpu.memref_slice %arg2[%dma_start3A_464, %add3A_452] : memref<2x320000xi32, #tpu.memory_space<hbm>> -> memref<2x128xi32, #tpu.memory_space<hbm>>
      tpu.enqueue_dma source(%dma_start3A_465 : memref<2x128xi32, #tpu.memory_space<hbm>>) target(%dma_start3A_463 : memref<2x128xi32, #tpu.memory_space<vmem>>) target_semaphore(%arg11 : memref<!tpu.dma_semaphore, #tpu.memory_space<semaphore_mem>>)
      %add3A_466 = arith.constant 3 : i32
      %add3A_467 = arith.addi %add3A_290, %add3A_466 : i32
      %mul3A_468 = arith.constant 128 : i32
      %mul3A_469 = arith.muli %add3A_467, %mul3A_468 : i32
      %add3A_470 = arith.addi %mul3A_23, %mul3A_469 : i32
      %dma_wait3A_471 = arith.constant 3 : i32
      %dma_wait3A_472 = arith.constant 0 : i32
      %dma_wait3A_473 = arith.constant 0 : i32
      %dma_wait3A_474 = tpu.memref_slice %arg7[%dma_wait3A_471, %dma_wait3A_472, %dma_wait3A_473] : memref<4x2x128xi32, #tpu.memory_space<vmem>> -> memref<1x2x128xi32, #tpu.memory_space<vmem>>
      %dma_wait3A_475 = tpu.memref_squeeze %dma_wait3A_474 : memref<1x2x128xi32, #tpu.memory_space<vmem>> -> memref<2x128xi32, #tpu.memory_space<vmem>>
      %dma_wait3A_476 = arith.constant 0 : i32
      %dma_wait3A_477 = tpu.memref_slice %arg2[%dma_wait3A_476, %add3A_470] : memref<2x320000xi32, #tpu.memory_space<hbm>> -> memref<2x128xi32, #tpu.memory_space<hbm>>
      %dma_wait3A_478 = arith.constant 0 : i32
      %dma_wait3A_479 = arith.constant 0 : i32
      %dma_wait3A_480 = tpu.memref_slice %arg7[%dma_wait3A_471, %dma_wait3A_478, %dma_wait3A_479] : memref<4x2x128xi32, #tpu.memory_space<vmem>> -> memref<1x2x128xi32, #tpu.memory_space<vmem>>
      %dma_wait3A_481 = tpu.memref_squeeze %dma_wait3A_480 : memref<1x2x128xi32, #tpu.memory_space<vmem>> -> memref<2x128xi32, #tpu.memory_space<vmem>>
      %dma_wait3A_482 = arith.constant 0 : i32
      %dma_wait3A_483 = tpu.memref_slice %arg2[%dma_wait3A_482, %add3A_470] : memref<2x320000xi32, #tpu.memory_space<hbm>> -> memref<2x128xi32, #tpu.memory_space<hbm>>
      tpu.wait_dma2 semaphore(%arg12 : memref<!tpu.dma_semaphore, #tpu.memory_space<semaphore_mem>>) src(%dma_wait3A_483 : memref<2x128xi32, #tpu.memory_space<hbm>>) dst(%dma_wait3A_481 : memref<2x128xi32, #tpu.memory_space<vmem>>)
      %ge3A_484 = arith.constant 2 : i32
      %ge3A_485 = arith.cmpi sge, %add3A_467, %ge3A_484 : i32
      %convert_element_type3A_486 = arith.extui %ge3A_485 : i1 to i32
      %cond3A_487 = arith.constant 0 : i32
      %cond3A_488 = arith.cmpi ne, %convert_element_type3A_486, %cond3A_487 : i32
      scf.if %cond3A_488 {
        %dma_wait3A_525 = arith.constant 1 : i32
        %dma_wait3A_526 = arith.constant 1 : i32
        %dma_wait3A_527 = arith.constant 1 : i32
        %dma_wait3A_528 = arith.constant 0 : i32
        %dma_wait3A_529 = arith.constant 0 : i32
        %dma_wait3A_530 = tpu.memref_slice %arg8[%dma_wait3A_525, %dma_wait3A_528, %dma_wait3A_529] : memref<2x128x128xf32, #tpu.memory_space<vmem>> -> memref<1x128x128xf32, #tpu.memory_space<vmem>>
        %dma_wait3A_531 = tpu.memref_squeeze %dma_wait3A_530 : memref<1x128x128xf32, #tpu.memory_space<vmem>> -> memref<128x128xf32, #tpu.memory_space<vmem>>
        %dma_wait3A_532 = arith.constant 0 : i32
        %dma_wait3A_533 = tpu.memref_slice %arg7[%dma_wait3A_526, %dma_wait3A_527, %dma_wait3A_532] : memref<4x2x128xi32, #tpu.memory_space<vmem>> -> memref<1x1x128xi32, #tpu.memory_space<vmem>>
        %dma_wait3A_534 = tpu.memref_squeeze %dma_wait3A_533 : memref<1x1x128xi32, #tpu.memory_space<vmem>> -> memref<128xi32, #tpu.memory_space<vmem>>
        %dma_wait3A_535 = arith.constant 0 : i32
        %dma_wait3A_536 = arith.constant 0 : i32
        %dma_wait3A_537 = tpu.memref_slice %arg6[%dma_wait3A_535, %dma_wait3A_536] : memref<10000x128xf32, #tpu.memory_space<vmem_shared>> -> memref<10000x128xf32, #tpu.memory_space<vmem_shared>>
        tpu.wait_indirect_dma semaphore(%arg16 : memref<!tpu.dma_semaphore, #tpu.memory_space<semaphore_mem>>) src(%dma_wait3A_531 : memref<128x128xf32, #tpu.memory_space<vmem>>) dst(%dma_wait3A_537 : memref<10000x128xf32, #tpu.memory_space<vmem_shared>>)
      } else {
      }
      %dma_start3A_489 = arith.constant 3 : i32
      %dma_start3A_490 = arith.constant 0 : i32
      %dma_start3A_491 = arith.constant 1 : i32
      %dma_start3A_492 = arith.constant 0 : i32
      %dma_start3A_493 = arith.constant 0 : i32
      %dma_start3A_494 = tpu.memref_slice %arg8[%dma_start3A_491, %dma_start3A_492, %dma_start3A_493] : memref<2x128x128xf32, #tpu.memory_space<vmem>> -> memref<1x128x128xf32, #tpu.memory_space<vmem>>
      %dma_start3A_495 = tpu.memref_squeeze %dma_start3A_494 : memref<1x128x128xf32, #tpu.memory_space<vmem>> -> memref<128x128xf32, #tpu.memory_space<vmem>>
      %dma_start3A_496 = arith.constant 0 : i32
      %dma_start3A_497 = tpu.memref_slice %arg7[%dma_start3A_489, %dma_start3A_490, %dma_start3A_496] : memref<4x2x128xi32, #tpu.memory_space<vmem>> -> memref<1x1x128xi32, #tpu.memory_space<vmem>>
      %dma_start3A_498 = tpu.memref_squeeze %dma_start3A_497 : memref<1x1x128xi32, #tpu.memory_space<vmem>> -> memref<128xi32, #tpu.memory_space<vmem>>
      %dma_start3A_499 = arith.constant 0 : i32
      %dma_start3A_500 = arith.constant 0 : i32
      %dma_start3A_501 = tpu.memref_slice %arg3[%dma_start3A_499, %dma_start3A_500] : memref<10000x128xf32, #tpu.memory_space<hbm>> -> memref<10000x128xf32, #tpu.memory_space<hbm>>
      tpu.enqueue_indirect_dma source(%dma_start3A_501 : memref<10000x128xf32, #tpu.memory_space<hbm>>) target(%dma_start3A_495 : memref<128x128xf32, #tpu.memory_space<vmem>>) offsets(%dma_start3A_498 : memref<128xi32, #tpu.memory_space<vmem>>) semaphore(%arg14 : memref<!tpu.dma_semaphore, #tpu.memory_space<semaphore_mem>>)
      %gt3A_502 = arith.constant 0 : i32
      %gt3A_503 = arith.cmpi sgt, %add3A_467, %gt3A_502 : i32
      %convert_element_type3A_504 = arith.extui %gt3A_503 : i1 to i32
      %cond3A_505 = arith.constant 0 : i32
      %cond3A_506 = arith.cmpi ne, %convert_element_type3A_504, %cond3A_505 : i32
      scf.if %cond3A_506 {
        %dma_wait3A_525 = arith.constant 2 : i32
        %dma_wait3A_526 = arith.constant 0 : i32
        %dma_wait3A_527 = arith.constant 0 : i32
        %dma_wait3A_528 = arith.constant 0 : i32
        %dma_wait3A_529 = arith.constant 0 : i32
        %dma_wait3A_530 = tpu.memref_slice %arg8[%dma_wait3A_527, %dma_wait3A_528, %dma_wait3A_529] : memref<2x128x128xf32, #tpu.memory_space<vmem>> -> memref<1x128x128xf32, #tpu.memory_space<vmem>>
        %dma_wait3A_531 = tpu.memref_squeeze %dma_wait3A_530 : memref<1x128x128xf32, #tpu.memory_space<vmem>> -> memref<128x128xf32, #tpu.memory_space<vmem>>
        %dma_wait3A_532 = arith.constant 0 : i32
        %dma_wait3A_533 = tpu.memref_slice %arg7[%dma_wait3A_525, %dma_wait3A_526, %dma_wait3A_532] : memref<4x2x128xi32, #tpu.memory_space<vmem>> -> memref<1x1x128xi32, #tpu.memory_space<vmem>>
        %dma_wait3A_534 = tpu.memref_squeeze %dma_wait3A_533 : memref<1x1x128xi32, #tpu.memory_space<vmem>> -> memref<128xi32, #tpu.memory_space<vmem>>
        %dma_wait3A_535 = arith.constant 0 : i32
        %dma_wait3A_536 = arith.constant 0 : i32
        %dma_wait3A_537 = tpu.memref_slice %arg3[%dma_wait3A_535, %dma_wait3A_536] : memref<10000x128xf32, #tpu.memory_space<hbm>> -> memref<10000x128xf32, #tpu.memory_space<hbm>>
        tpu.wait_indirect_dma semaphore(%arg13 : memref<!tpu.dma_semaphore, #tpu.memory_space<semaphore_mem>>) src(%dma_wait3A_537 : memref<10000x128xf32, #tpu.memory_space<hbm>>) dst(%dma_wait3A_531 : memref<128x128xf32, #tpu.memory_space<vmem>>)
        %dma_start3A_538 = arith.constant 0 : i32
        %dma_start3A_539 = arith.constant 2 : i32
        %dma_start3A_540 = arith.constant 1 : i32
        %dma_start3A_541 = arith.constant 0 : i32
        %dma_start3A_542 = arith.constant 0 : i32
        %dma_start3A_543 = tpu.memref_slice %arg8[%dma_start3A_538, %dma_start3A_541, %dma_start3A_542] : memref<2x128x128xf32, #tpu.memory_space<vmem>> -> memref<1x128x128xf32, #tpu.memory_space<vmem>>
        %dma_start3A_544 = tpu.memref_squeeze %dma_start3A_543 : memref<1x128x128xf32, #tpu.memory_space<vmem>> -> memref<128x128xf32, #tpu.memory_space<vmem>>
        %dma_start3A_545 = arith.constant 0 : i32
        %dma_start3A_546 = tpu.memref_slice %arg7[%dma_start3A_539, %dma_start3A_540, %dma_start3A_545] : memref<4x2x128xi32, #tpu.memory_space<vmem>> -> memref<1x1x128xi32, #tpu.memory_space<vmem>>
        %dma_start3A_547 = tpu.memref_squeeze %dma_start3A_546 : memref<1x1x128xi32, #tpu.memory_space<vmem>> -> memref<128xi32, #tpu.memory_space<vmem>>
        %dma_start3A_548 = arith.constant 0 : i32
        %dma_start3A_549 = arith.constant 0 : i32
        %dma_start3A_550 = tpu.memref_slice %arg6[%dma_start3A_548, %dma_start3A_549] : memref<10000x128xf32, #tpu.memory_space<vmem_shared>> -> memref<10000x128xf32, #tpu.memory_space<vmem_shared>>
        tpu.enqueue_indirect_dma source(%dma_start3A_544 : memref<128x128xf32, #tpu.memory_space<vmem>>) target(%dma_start3A_550 : memref<10000x128xf32, #tpu.memory_space<vmem_shared>>) offsets(%dma_start3A_547 : memref<128xi32, #tpu.memory_space<vmem>>) semaphore(%arg15 : memref<!tpu.dma_semaphore, #tpu.memory_space<semaphore_mem>>) {add = true}
        %scan3A_551 = arith.constant 2 : i32
        %scan3A_552 = arith.constant 1 : i32
        %scan3A_553 = arith.constant 0 : i32
        %scan3A_554 = arith.constant 8 : i32
        %scan3A_555 = arith.addi %scan3A_553, %scan3A_554 : i32
        %scan3A_556 = arith.constant 1 : i32
        scf.for %scan3A_558 = %scan3A_553 to %scan3A_555 step %scan3A_556  : i32 {
          %mul3A_559 = arith.constant 1 : i32
          %mul3A_560 = arith.muli %scan3A_558, %mul3A_559 : i32
          %add3A_561 = arith.constant 0 : i32
          %add3A_562 = arith.addi %add3A_561, %mul3A_560 : i32
          %mul3A_563 = arith.constant 16 : i32
          %mul3A_564 = arith.muli %add3A_562, %mul3A_563 : i32
          %get3A = arith.constant 0 : i32
          %get3A_565 = tpu.memref_slice %arg7[%scan3A_551, %scan3A_552, %get3A] : memref<4x2x128xi32, #tpu.memory_space<vmem>> -> memref<1x1x128xi32, #tpu.memory_space<vmem>>
          %get3A_566 = tpu.memref_squeeze %get3A_565 : memref<1x1x128xi32, #tpu.memory_space<vmem>> -> memref<128xi32, #tpu.memory_space<vmem>>
          %get3A_567 = arith.index_cast %mul3A_564 : i32 to index
          %get3A_568 = tpu.vector_load %get3A_566[%get3A_567] {strides = array<i32>} : memref<128xi32, #tpu.memory_space<vmem>>, vector<16xi32>,
          tpu.vector_store_idx %arg9[%get3A_568], %broadcast_in_dim3A_24 {add = true} : memref<10000xf32, #tpu.memory_space<vmem>>[vector<16xi32>], vector<16xf32>,
        }
        %scan3A_557 = arith.constant 8 : i32
      } else {
      }
      %add3A_507 = arith.constant 2 : i32
      %add3A_508 = arith.addi %add3A_467, %add3A_507 : i32
      %mul3A_509 = arith.constant 128 : i32
      %mul3A_510 = arith.muli %add3A_508, %mul3A_509 : i32
      %add3A_511 = arith.addi %mul3A_23, %mul3A_510 : i32
      %dma_start3A_512 = arith.constant 1 : i32
      %dma_start3A_513 = arith.constant 0 : i32
      %dma_start3A_514 = arith.constant 0 : i32
      %dma_start3A_515 = tpu.memref_slice %arg7[%dma_start3A_512, %dma_start3A_513, %dma_start3A_514] : memref<4x2x128xi32, #tpu.memory_space<vmem>> -> memref<1x2x128xi32, #tpu.memory_space<vmem>>
      %dma_start3A_516 = tpu.memref_squeeze %dma_start3A_515 : memref<1x2x128xi32, #tpu.memory_space<vmem>> -> memref<2x128xi32, #tpu.memory_space<vmem>>
      %dma_start3A_517 = arith.constant 0 : i32
      %dma_start3A_518 = tpu.memref_slice %arg2[%dma_start3A_517, %add3A_511] : memref<2x320000xi32, #tpu.memory_space<hbm>> -> memref<2x128xi32, #tpu.memory_space<hbm>>
      %dma_start3A_519 = arith.constant 0 : i32
      %dma_start3A_520 = arith.constant 0 : i32
      %dma_start3A_521 = tpu.memref_slice %arg7[%dma_start3A_512, %dma_start3A_519, %dma_start3A_520] : memref<4x2x128xi32, #tpu.memory_space<vmem>> -> memref<1x2x128xi32, #tpu.memory_space<vmem>>
      %dma_start3A_522 = tpu.memref_squeeze %dma_start3A_521 : memref<1x2x128xi32, #tpu.memory_space<vmem>> -> memref<2x128xi32, #tpu.memory_space<vmem>>
      %dma_start3A_523 = arith.constant 0 : i32
      %dma_start3A_524 = tpu.memref_slice %arg2[%dma_start3A_523, %add3A_511] : memref<2x320000xi32, #tpu.memory_space<hbm>> -> memref<2x128xi32, #tpu.memory_space<hbm>>
      tpu.enqueue_dma source(%dma_start3A_524 : memref<2x128xi32, #tpu.memory_space<hbm>>) target(%dma_start3A_522 : memref<2x128xi32, #tpu.memory_space<vmem>>) target_semaphore(%arg12 : memref<!tpu.dma_semaphore, #tpu.memory_space<semaphore_mem>>)
    }
    %scan3A_58 = arith.constant 19 : i32
    %add3A_59 = arith.constant 9728 : i32
    %add3A_60 = arith.addi %mul3A_23, %add3A_59 : i32
    %dma_wait3A = arith.constant 0 : i32
    %dma_wait3A_61 = arith.constant 0 : i32
    %dma_wait3A_62 = arith.constant 0 : i32
    %dma_wait3A_63 = tpu.memref_slice %arg7[%dma_wait3A, %dma_wait3A_61, %dma_wait3A_62] : memref<4x2x128xi32, #tpu.memory_space<vmem>> -> memref<1x2x128xi32, #tpu.memory_space<vmem>>
    %dma_wait3A_64 = tpu.memref_squeeze %dma_wait3A_63 : memref<1x2x128xi32, #tpu.memory_space<vmem>> -> memref<2x128xi32, #tpu.memory_space<vmem>>
    %dma_wait3A_65 = arith.constant 0 : i32
    %dma_wait3A_66 = tpu.memref_slice %arg2[%dma_wait3A_65, %add3A_60] : memref<2x320000xi32, #tpu.memory_space<hbm>> -> memref<2x128xi32, #tpu.memory_space<hbm>>
    %dma_wait3A_67 = arith.constant 0 : i32
    %dma_wait3A_68 = arith.constant 0 : i32
    %dma_wait3A_69 = tpu.memref_slice %arg7[%dma_wait3A, %dma_wait3A_67, %dma_wait3A_68] : memref<4x2x128xi32, #tpu.memory_space<vmem>> -> memref<1x2x128xi32, #tpu.memory_space<vmem>>
    %dma_wait3A_70 = tpu.memref_squeeze %dma_wait3A_69 : memref<1x2x128xi32, #tpu.memory_space<vmem>> -> memref<2x128xi32, #tpu.memory_space<vmem>>
    %dma_wait3A_71 = arith.constant 0 : i32
    %dma_wait3A_72 = tpu.memref_slice %arg2[%dma_wait3A_71, %add3A_60] : memref<2x320000xi32, #tpu.memory_space<hbm>> -> memref<2x128xi32, #tpu.memory_space<hbm>>
    tpu.wait_dma2 semaphore(%arg11 : memref<!tpu.dma_semaphore, #tpu.memory_space<semaphore_mem>>) src(%dma_wait3A_72 : memref<2x128xi32, #tpu.memory_space<hbm>>) dst(%dma_wait3A_70 : memref<2x128xi32, #tpu.memory_space<vmem>>)
    %dma_wait3A_73 = arith.constant 0 : i32
    %dma_wait3A_74 = arith.constant 2 : i32
    %dma_wait3A_75 = arith.constant 1 : i32
    %dma_wait3A_76 = arith.constant 0 : i32
    %dma_wait3A_77 = arith.constant 0 : i32
    %dma_wait3A_78 = tpu.memref_slice %arg8[%dma_wait3A_73, %dma_wait3A_76, %dma_wait3A_77] : memref<2x128x128xf32, #tpu.memory_space<vmem>> -> memref<1x128x128xf32, #tpu.memory_space<vmem>>
    %dma_wait3A_79 = tpu.memref_squeeze %dma_wait3A_78 : memref<1x128x128xf32, #tpu.memory_space<vmem>> -> memref<128x128xf32, #tpu.memory_space<vmem>>
    %dma_wait3A_80 = arith.constant 0 : i32
    %dma_wait3A_81 = tpu.memref_slice %arg7[%dma_wait3A_74, %dma_wait3A_75, %dma_wait3A_80] : memref<4x2x128xi32, #tpu.memory_space<vmem>> -> memref<1x1x128xi32, #tpu.memory_space<vmem>>
    %dma_wait3A_82 = tpu.memref_squeeze %dma_wait3A_81 : memref<1x1x128xi32, #tpu.memory_space<vmem>> -> memref<128xi32, #tpu.memory_space<vmem>>
    %dma_wait3A_83 = arith.constant 0 : i32
    %dma_wait3A_84 = arith.constant 0 : i32
    %dma_wait3A_85 = tpu.memref_slice %arg6[%dma_wait3A_83, %dma_wait3A_84] : memref<10000x128xf32, #tpu.memory_space<vmem_shared>> -> memref<10000x128xf32, #tpu.memory_space<vmem_shared>>
    tpu.wait_indirect_dma semaphore(%arg15 : memref<!tpu.dma_semaphore, #tpu.memory_space<semaphore_mem>>) src(%dma_wait3A_79 : memref<128x128xf32, #tpu.memory_space<vmem>>) dst(%dma_wait3A_85 : memref<10000x128xf32, #tpu.memory_space<vmem_shared>>)
    %dma_start3A_86 = arith.constant 0 : i32
    %dma_start3A_87 = arith.constant 0 : i32
    %dma_start3A_88 = arith.constant 0 : i32
    %dma_start3A_89 = arith.constant 0 : i32
    %dma_start3A_90 = arith.constant 0 : i32
    %dma_start3A_91 = tpu.memref_slice %arg8[%dma_start3A_88, %dma_start3A_89, %dma_start3A_90] : memref<2x128x128xf32, #tpu.memory_space<vmem>> -> memref<1x128x128xf32, #tpu.memory_space<vmem>>
    %dma_start3A_92 = tpu.memref_squeeze %dma_start3A_91 : memref<1x128x128xf32, #tpu.memory_space<vmem>> -> memref<128x128xf32, #tpu.memory_space<vmem>>
    %dma_start3A_93 = arith.constant 0 : i32
    %dma_start3A_94 = tpu.memref_slice %arg7[%dma_start3A_86, %dma_start3A_87, %dma_start3A_93] : memref<4x2x128xi32, #tpu.memory_space<vmem>> -> memref<1x1x128xi32, #tpu.memory_space<vmem>>
    %dma_start3A_95 = tpu.memref_squeeze %dma_start3A_94 : memref<1x1x128xi32, #tpu.memory_space<vmem>> -> memref<128xi32, #tpu.memory_space<vmem>>
    %dma_start3A_96 = arith.constant 0 : i32
    %dma_start3A_97 = arith.constant 0 : i32
    %dma_start3A_98 = tpu.memref_slice %arg3[%dma_start3A_96, %dma_start3A_97] : memref<10000x128xf32, #tpu.memory_space<hbm>> -> memref<10000x128xf32, #tpu.memory_space<hbm>>
    tpu.enqueue_indirect_dma source(%dma_start3A_98 : memref<10000x128xf32, #tpu.memory_space<hbm>>) target(%dma_start3A_92 : memref<128x128xf32, #tpu.memory_space<vmem>>) offsets(%dma_start3A_95 : memref<128xi32, #tpu.memory_space<vmem>>) semaphore(%arg13 : memref<!tpu.dma_semaphore, #tpu.memory_space<semaphore_mem>>)
    %dma_wait3A_99 = arith.constant 3 : i32
    %dma_wait3A_100 = arith.constant 0 : i32
    %dma_wait3A_101 = arith.constant 1 : i32
    %dma_wait3A_102 = arith.constant 0 : i32
    %dma_wait3A_103 = arith.constant 0 : i32
    %dma_wait3A_104 = tpu.memref_slice %arg8[%dma_wait3A_101, %dma_wait3A_102, %dma_wait3A_103] : memref<2x128x128xf32, #tpu.memory_space<vmem>> -> memref<1x128x128xf32, #tpu.memory_space<vmem>>
    %dma_wait3A_105 = tpu.memref_squeeze %dma_wait3A_104 : memref<1x128x128xf32, #tpu.memory_space<vmem>> -> memref<128x128xf32, #tpu.memory_space<vmem>>
    %dma_wait3A_106 = arith.constant 0 : i32
    %dma_wait3A_107 = tpu.memref_slice %arg7[%dma_wait3A_99, %dma_wait3A_100, %dma_wait3A_106] : memref<4x2x128xi32, #tpu.memory_space<vmem>> -> memref<1x1x128xi32, #tpu.memory_space<vmem>>
    %dma_wait3A_108 = tpu.memref_squeeze %dma_wait3A_107 : memref<1x1x128xi32, #tpu.memory_space<vmem>> -> memref<128xi32, #tpu.memory_space<vmem>>
    %dma_wait3A_109 = arith.constant 0 : i32
    %dma_wait3A_110 = arith.constant 0 : i32
    %dma_wait3A_111 = tpu.memref_slice %arg3[%dma_wait3A_109, %dma_wait3A_110] : memref<10000x128xf32, #tpu.memory_space<hbm>> -> memref<10000x128xf32, #tpu.memory_space<hbm>>
    tpu.wait_indirect_dma semaphore(%arg14 : memref<!tpu.dma_semaphore, #tpu.memory_space<semaphore_mem>>) src(%dma_wait3A_111 : memref<10000x128xf32, #tpu.memory_space<hbm>>) dst(%dma_wait3A_105 : memref<128x128xf32, #tpu.memory_space<vmem>>)
    %dma_start3A_112 = arith.constant 1 : i32
    %dma_start3A_113 = arith.constant 3 : i32
    %dma_start3A_114 = arith.constant 1 : i32
    %dma_start3A_115 = arith.constant 0 : i32
    %dma_start3A_116 = arith.constant 0 : i32
    %dma_start3A_117 = tpu.memref_slice %arg8[%dma_start3A_112, %dma_start3A_115, %dma_start3A_116] : memref<2x128x128xf32, #tpu.memory_space<vmem>> -> memref<1x128x128xf32, #tpu.memory_space<vmem>>
    %dma_start3A_118 = tpu.memref_squeeze %dma_start3A_117 : memref<1x128x128xf32, #tpu.memory_space<vmem>> -> memref<128x128xf32, #tpu.memory_space<vmem>>
    %dma_start3A_119 = arith.constant 0 : i32
    %dma_start3A_120 = tpu.memref_slice %arg7[%dma_start3A_113, %dma_start3A_114, %dma_start3A_119] : memref<4x2x128xi32, #tpu.memory_space<vmem>> -> memref<1x1x128xi32, #tpu.memory_space<vmem>>
    %dma_start3A_121 = tpu.memref_squeeze %dma_start3A_120 : memref<1x1x128xi32, #tpu.memory_space<vmem>> -> memref<128xi32, #tpu.memory_space<vmem>>
    %dma_start3A_122 = arith.constant 0 : i32
    %dma_start3A_123 = arith.constant 0 : i32
    %dma_start3A_124 = tpu.memref_slice %arg6[%dma_start3A_122, %dma_start3A_123] : memref<10000x128xf32, #tpu.memory_space<vmem_shared>> -> memref<10000x128xf32, #tpu.memory_space<vmem_shared>>
    tpu.enqueue_indirect_dma source(%dma_start3A_118 : memref<128x128xf32, #tpu.memory_space<vmem>>) target(%dma_start3A_124 : memref<10000x128xf32, #tpu.memory_space<vmem_shared>>) offsets(%dma_start3A_121 : memref<128xi32, #tpu.memory_space<vmem>>) semaphore(%arg16 : memref<!tpu.dma_semaphore, #tpu.memory_space<semaphore_mem>>) {add = true}
    %scan3A_125 = arith.constant 3 : i32
    %scan3A_126 = arith.constant 1 : i32
    %scan3A_127 = arith.constant 0 : i32
    %scan3A_128 = arith.constant 8 : i32
    %scan3A_129 = arith.addi %scan3A_127, %scan3A_128 : i32
    %scan3A_130 = arith.constant 1 : i32
    scf.for %scan3A_286 = %scan3A_127 to %scan3A_129 step %scan3A_130  : i32 {
      %mul3A_287 = arith.constant 1 : i32
      %mul3A_288 = arith.muli %scan3A_286, %mul3A_287 : i32
      %add3A_289 = arith.constant 0 : i32
      %add3A_290 = arith.addi %add3A_289, %mul3A_288 : i32
      %mul3A_291 = arith.constant 16 : i32
      %mul3A_292 = arith.muli %add3A_290, %mul3A_291 : i32
      %get3A = arith.constant 0 : i32
      %get3A_293 = tpu.memref_slice %arg7[%scan3A_125, %scan3A_126, %get3A] : memref<4x2x128xi32, #tpu.memory_space<vmem>> -> memref<1x1x128xi32, #tpu.memory_space<vmem>>
      %get3A_294 = tpu.memref_squeeze %get3A_293 : memref<1x1x128xi32, #tpu.memory_space<vmem>> -> memref<128xi32, #tpu.memory_space<vmem>>
      %get3A_295 = arith.index_cast %mul3A_292 : i32 to index
      %get3A_296 = tpu.vector_load %get3A_294[%get3A_295] {strides = array<i32>} : memref<128xi32, #tpu.memory_space<vmem>>, vector<16xi32>,
      tpu.vector_store_idx %arg9[%get3A_296], %broadcast_in_dim3A_24 {add = true} : memref<10000xf32, #tpu.memory_space<vmem>>[vector<16xi32>], vector<16xf32>,
    }
    %scan3A_131 = arith.constant 8 : i32
    %add3A_132 = arith.constant 9856 : i32
    %add3A_133 = arith.addi %mul3A_23, %add3A_132 : i32
    %dma_wait3A_134 = arith.constant 1 : i32
    %dma_wait3A_135 = arith.constant 0 : i32
    %dma_wait3A_136 = arith.constant 0 : i32
    %dma_wait3A_137 = tpu.memref_slice %arg7[%dma_wait3A_134, %dma_wait3A_135, %dma_wait3A_136] : memref<4x2x128xi32, #tpu.memory_space<vmem>> -> memref<1x2x128xi32, #tpu.memory_space<vmem>>
    %dma_wait3A_138 = tpu.memref_squeeze %dma_wait3A_137 : memref<1x2x128xi32, #tpu.memory_space<vmem>> -> memref<2x128xi32, #tpu.memory_space<vmem>>
    %dma_wait3A_139 = arith.constant 0 : i32
    %dma_wait3A_140 = tpu.memref_slice %arg2[%dma_wait3A_139, %add3A_133] : memref<2x320000xi32, #tpu.memory_space<hbm>> -> memref<2x128xi32, #tpu.memory_space<hbm>>
    %dma_wait3A_141 = arith.constant 0 : i32
    %dma_wait3A_142 = arith.constant 0 : i32
    %dma_wait3A_143 = tpu.memref_slice %arg7[%dma_wait3A_134, %dma_wait3A_141, %dma_wait3A_142] : memref<4x2x128xi32, #tpu.memory_space<vmem>> -> memref<1x2x128xi32, #tpu.memory_space<vmem>>
    %dma_wait3A_144 = tpu.memref_squeeze %dma_wait3A_143 : memref<1x2x128xi32, #tpu.memory_space<vmem>> -> memref<2x128xi32, #tpu.memory_space<vmem>>
    %dma_wait3A_145 = arith.constant 0 : i32
    %dma_wait3A_146 = tpu.memref_slice %arg2[%dma_wait3A_145, %add3A_133] : memref<2x320000xi32, #tpu.memory_space<hbm>> -> memref<2x128xi32, #tpu.memory_space<hbm>>
    tpu.wait_dma2 semaphore(%arg12 : memref<!tpu.dma_semaphore, #tpu.memory_space<semaphore_mem>>) src(%dma_wait3A_146 : memref<2x128xi32, #tpu.memory_space<hbm>>) dst(%dma_wait3A_144 : memref<2x128xi32, #tpu.memory_space<vmem>>)
    %dma_wait3A_147 = arith.constant 1 : i32
    %dma_wait3A_148 = arith.constant 3 : i32
    %dma_wait3A_149 = arith.constant 1 : i32
    %dma_wait3A_150 = arith.constant 0 : i32
    %dma_wait3A_151 = arith.constant 0 : i32
    %dma_wait3A_152 = tpu.memref_slice %arg8[%dma_wait3A_147, %dma_wait3A_150, %dma_wait3A_151] : memref<2x128x128xf32, #tpu.memory_space<vmem>> -> memref<1x128x128xf32, #tpu.memory_space<vmem>>
    %dma_wait3A_153 = tpu.memref_squeeze %dma_wait3A_152 : memref<1x128x128xf32, #tpu.memory_space<vmem>> -> memref<128x128xf32, #tpu.memory_space<vmem>>
    %dma_wait3A_154 = arith.constant 0 : i32
    %dma_wait3A_155 = tpu.memref_slice %arg7[%dma_wait3A_148, %dma_wait3A_149, %dma_wait3A_154] : memref<4x2x128xi32, #tpu.memory_space<vmem>> -> memref<1x1x128xi32, #tpu.memory_space<vmem>>
    %dma_wait3A_156 = tpu.memref_squeeze %dma_wait3A_155 : memref<1x1x128xi32, #tpu.memory_space<vmem>> -> memref<128xi32, #tpu.memory_space<vmem>>
    %dma_wait3A_157 = arith.constant 0 : i32
    %dma_wait3A_158 = arith.constant 0 : i32
    %dma_wait3A_159 = tpu.memref_slice %arg6[%dma_wait3A_157, %dma_wait3A_158] : memref<10000x128xf32, #tpu.memory_space<vmem_shared>> -> memref<10000x128xf32, #tpu.memory_space<vmem_shared>>
    tpu.wait_indirect_dma semaphore(%arg16 : memref<!tpu.dma_semaphore, #tpu.memory_space<semaphore_mem>>) src(%dma_wait3A_153 : memref<128x128xf32, #tpu.memory_space<vmem>>) dst(%dma_wait3A_159 : memref<10000x128xf32, #tpu.memory_space<vmem_shared>>)
    %dma_start3A_160 = arith.constant 1 : i32
    %dma_start3A_161 = arith.constant 0 : i32
    %dma_start3A_162 = arith.constant 1 : i32
    %dma_start3A_163 = arith.constant 0 : i32
    %dma_start3A_164 = arith.constant 0 : i32
    %dma_start3A_165 = tpu.memref_slice %arg8[%dma_start3A_162, %dma_start3A_163, %dma_start3A_164] : memref<2x128x128xf32, #tpu.memory_space<vmem>> -> memref<1x128x128xf32, #tpu.memory_space<vmem>>
    %dma_start3A_166 = tpu.memref_squeeze %dma_start3A_165 : memref<1x128x128xf32, #tpu.memory_space<vmem>> -> memref<128x128xf32, #tpu.memory_space<vmem>>
    %dma_start3A_167 = arith.constant 0 : i32
    %dma_start3A_168 = tpu.memref_slice %arg7[%dma_start3A_160, %dma_start3A_161, %dma_start3A_167] : memref<4x2x128xi32, #tpu.memory_space<vmem>> -> memref<1x1x128xi32, #tpu.memory_space<vmem>>
    %dma_start3A_169 = tpu.memref_squeeze %dma_start3A_168 : memref<1x1x128xi32, #tpu.memory_space<vmem>> -> memref<128xi32, #tpu.memory_space<vmem>>
    %dma_start3A_170 = arith.constant 0 : i32
    %dma_start3A_171 = arith.constant 0 : i32
    %dma_start3A_172 = tpu.memref_slice %arg3[%dma_start3A_170, %dma_start3A_171] : memref<10000x128xf32, #tpu.memory_space<hbm>> -> memref<10000x128xf32, #tpu.memory_space<hbm>>
    tpu.enqueue_indirect_dma source(%dma_start3A_172 : memref<10000x128xf32, #tpu.memory_space<hbm>>) target(%dma_start3A_166 : memref<128x128xf32, #tpu.memory_space<vmem>>) offsets(%dma_start3A_169 : memref<128xi32, #tpu.memory_space<vmem>>) semaphore(%arg14 : memref<!tpu.dma_semaphore, #tpu.memory_space<semaphore_mem>>)
    %dma_wait3A_173 = arith.constant 0 : i32
    %dma_wait3A_174 = arith.constant 0 : i32
    %dma_wait3A_175 = arith.constant 0 : i32
    %dma_wait3A_176 = arith.constant 0 : i32
    %dma_wait3A_177 = arith.constant 0 : i32
    %dma_wait3A_178 = tpu.memref_slice %arg8[%dma_wait3A_175, %dma_wait3A_176, %dma_wait3A_177] : memref<2x128x128xf32, #tpu.memory_space<vmem>> -> memref<1x128x128xf32, #tpu.memory_space<vmem>>
    %dma_wait3A_179 = tpu.memref_squeeze %dma_wait3A_178 : memref<1x128x128xf32, #tpu.memory_space<vmem>> -> memref<128x128xf32, #tpu.memory_space<vmem>>
    %dma_wait3A_180 = arith.constant 0 : i32
    %dma_wait3A_181 = tpu.memref_slice %arg7[%dma_wait3A_173, %dma_wait3A_174, %dma_wait3A_180] : memref<4x2x128xi32, #tpu.memory_space<vmem>> -> memref<1x1x128xi32, #tpu.memory_space<vmem>>
    %dma_wait3A_182 = tpu.memref_squeeze %dma_wait3A_181 : memref<1x1x128xi32, #tpu.memory_space<vmem>> -> memref<128xi32, #tpu.memory_space<vmem>>
    %dma_wait3A_183 = arith.constant 0 : i32
    %dma_wait3A_184 = arith.constant 0 : i32
    %dma_wait3A_185 = tpu.memref_slice %arg3[%dma_wait3A_183, %dma_wait3A_184] : memref<10000x128xf32, #tpu.memory_space<hbm>> -> memref<10000x128xf32, #tpu.memory_space<hbm>>
    tpu.wait_indirect_dma semaphore(%arg13 : memref<!tpu.dma_semaphore, #tpu.memory_space<semaphore_mem>>) src(%dma_wait3A_185 : memref<10000x128xf32, #tpu.memory_space<hbm>>) dst(%dma_wait3A_179 : memref<128x128xf32, #tpu.memory_space<vmem>>)
    %dma_start3A_186 = arith.constant 0 : i32
    %dma_start3A_187 = arith.constant 0 : i32
    %dma_start3A_188 = arith.constant 1 : i32
    %dma_start3A_189 = arith.constant 0 : i32
    %dma_start3A_190 = arith.constant 0 : i32
    %dma_start3A_191 = tpu.memref_slice %arg8[%dma_start3A_186, %dma_start3A_189, %dma_start3A_190] : memref<2x128x128xf32, #tpu.memory_space<vmem>> -> memref<1x128x128xf32, #tpu.memory_space<vmem>>
    %dma_start3A_192 = tpu.memref_squeeze %dma_start3A_191 : memref<1x128x128xf32, #tpu.memory_space<vmem>> -> memref<128x128xf32, #tpu.memory_space<vmem>>
    %dma_start3A_193 = arith.constant 0 : i32
    %dma_start3A_194 = tpu.memref_slice %arg7[%dma_start3A_187, %dma_start3A_188, %dma_start3A_193] : memref<4x2x128xi32, #tpu.memory_space<vmem>> -> memref<1x1x128xi32, #tpu.memory_space<vmem>>
    %dma_start3A_195 = tpu.memref_squeeze %dma_start3A_194 : memref<1x1x128xi32, #tpu.memory_space<vmem>> -> memref<128xi32, #tpu.memory_space<vmem>>
    %dma_start3A_196 = arith.constant 0 : i32
    %dma_start3A_197 = arith.constant 0 : i32
    %dma_start3A_198 = tpu.memref_slice %arg6[%dma_start3A_196, %dma_start3A_197] : memref<10000x128xf32, #tpu.memory_space<vmem_shared>> -> memref<10000x128xf32, #tpu.memory_space<vmem_shared>>
    tpu.enqueue_indirect_dma source(%dma_start3A_192 : memref<128x128xf32, #tpu.memory_space<vmem>>) target(%dma_start3A_198 : memref<10000x128xf32, #tpu.memory_space<vmem_shared>>) offsets(%dma_start3A_195 : memref<128xi32, #tpu.memory_space<vmem>>) semaphore(%arg15 : memref<!tpu.dma_semaphore, #tpu.memory_space<semaphore_mem>>) {add = true}
    %scan3A_199 = arith.constant 0 : i32
    %scan3A_200 = arith.constant 1 : i32
    %scan3A_201 = arith.constant 0 : i32
    %scan3A_202 = arith.constant 8 : i32
    %scan3A_203 = arith.addi %scan3A_201, %scan3A_202 : i32
    %scan3A_204 = arith.constant 1 : i32
    scf.for %scan3A_286 = %scan3A_201 to %scan3A_203 step %scan3A_204  : i32 {
      %mul3A_287 = arith.constant 1 : i32
      %mul3A_288 = arith.muli %scan3A_286, %mul3A_287 : i32
      %add3A_289 = arith.constant 0 : i32
      %add3A_290 = arith.addi %add3A_289, %mul3A_288 : i32
      %mul3A_291 = arith.constant 16 : i32
      %mul3A_292 = arith.muli %add3A_290, %mul3A_291 : i32
      %get3A = arith.constant 0 : i32
      %get3A_293 = tpu.memref_slice %arg7[%scan3A_199, %scan3A_200, %get3A] : memref<4x2x128xi32, #tpu.memory_space<vmem>> -> memref<1x1x128xi32, #tpu.memory_space<vmem>>
      %get3A_294 = tpu.memref_squeeze %get3A_293 : memref<1x1x128xi32, #tpu.memory_space<vmem>> -> memref<128xi32, #tpu.memory_space<vmem>>
      %get3A_295 = arith.index_cast %mul3A_292 : i32 to index
      %get3A_296 = tpu.vector_load %get3A_294[%get3A_295] {strides = array<i32>} : memref<128xi32, #tpu.memory_space<vmem>>, vector<16xi32>,
      tpu.vector_store_idx %arg9[%get3A_296], %broadcast_in_dim3A_24 {add = true} : memref<10000xf32, #tpu.memory_space<vmem>>[vector<16xi32>], vector<16xf32>,
    }
    %scan3A_205 = arith.constant 8 : i32
    %dma_wait3A_206 = arith.constant 1 : i32
    %dma_wait3A_207 = arith.constant 0 : i32
    %dma_wait3A_208 = arith.constant 1 : i32
    %dma_wait3A_209 = arith.constant 0 : i32
    %dma_wait3A_210 = arith.constant 0 : i32
    %dma_wait3A_211 = tpu.memref_slice %arg8[%dma_wait3A_208, %dma_wait3A_209, %dma_wait3A_210] : memref<2x128x128xf32, #tpu.memory_space<vmem>> -> memref<1x128x128xf32, #tpu.memory_space<vmem>>
    %dma_wait3A_212 = tpu.memref_squeeze %dma_wait3A_211 : memref<1x128x128xf32, #tpu.memory_space<vmem>> -> memref<128x128xf32, #tpu.memory_space<vmem>>
    %dma_wait3A_213 = arith.constant 0 : i32
    %dma_wait3A_214 = tpu.memref_slice %arg7[%dma_wait3A_206, %dma_wait3A_207, %dma_wait3A_213] : memref<4x2x128xi32, #tpu.memory_space<vmem>> -> memref<1x1x128xi32, #tpu.memory_space<vmem>>
    %dma_wait3A_215 = tpu.memref_squeeze %dma_wait3A_214 : memref<1x1x128xi32, #tpu.memory_space<vmem>> -> memref<128xi32, #tpu.memory_space<vmem>>
    %dma_wait3A_216 = arith.constant 0 : i32
    %dma_wait3A_217 = arith.constant 0 : i32
    %dma_wait3A_218 = tpu.memref_slice %arg3[%dma_wait3A_216, %dma_wait3A_217] : memref<10000x128xf32, #tpu.memory_space<hbm>> -> memref<10000x128xf32, #tpu.memory_space<hbm>>
    tpu.wait_indirect_dma semaphore(%arg14 : memref<!tpu.dma_semaphore, #tpu.memory_space<semaphore_mem>>) src(%dma_wait3A_218 : memref<10000x128xf32, #tpu.memory_space<hbm>>) dst(%dma_wait3A_212 : memref<128x128xf32, #tpu.memory_space<vmem>>)
    %dma_start3A_219 = arith.constant 1 : i32
    %dma_start3A_220 = arith.constant 1 : i32
    %dma_start3A_221 = arith.constant 1 : i32
    %dma_start3A_222 = arith.constant 0 : i32
    %dma_start3A_223 = arith.constant 0 : i32
    %dma_start3A_224 = tpu.memref_slice %arg8[%dma_start3A_219, %dma_start3A_222, %dma_start3A_223] : memref<2x128x128xf32, #tpu.memory_space<vmem>> -> memref<1x128x128xf32, #tpu.memory_space<vmem>>
    %dma_start3A_225 = tpu.memref_squeeze %dma_start3A_224 : memref<1x128x128xf32, #tpu.memory_space<vmem>> -> memref<128x128xf32, #tpu.memory_space<vmem>>
    %dma_start3A_226 = arith.constant 0 : i32
    %dma_start3A_227 = tpu.memref_slice %arg7[%dma_start3A_220, %dma_start3A_221, %dma_start3A_226] : memref<4x2x128xi32, #tpu.memory_space<vmem>> -> memref<1x1x128xi32, #tpu.memory_space<vmem>>
    %dma_start3A_228 = tpu.memref_squeeze %dma_start3A_227 : memref<1x1x128xi32, #tpu.memory_space<vmem>> -> memref<128xi32, #tpu.memory_space<vmem>>
    %dma_start3A_229 = arith.constant 0 : i32
    %dma_start3A_230 = arith.constant 0 : i32
    %dma_start3A_231 = tpu.memref_slice %arg6[%dma_start3A_229, %dma_start3A_230] : memref<10000x128xf32, #tpu.memory_space<vmem_shared>> -> memref<10000x128xf32, #tpu.memory_space<vmem_shared>>
    tpu.enqueue_indirect_dma source(%dma_start3A_225 : memref<128x128xf32, #tpu.memory_space<vmem>>) target(%dma_start3A_231 : memref<10000x128xf32, #tpu.memory_space<vmem_shared>>) offsets(%dma_start3A_228 : memref<128xi32, #tpu.memory_space<vmem>>) semaphore(%arg16 : memref<!tpu.dma_semaphore, #tpu.memory_space<semaphore_mem>>) {add = true}
    %scan3A_232 = arith.constant 1 : i32
    %scan3A_233 = arith.constant 1 : i32
    %scan3A_234 = arith.constant 0 : i32
    %scan3A_235 = arith.constant 8 : i32
    %scan3A_236 = arith.addi %scan3A_234, %scan3A_235 : i32
    %scan3A_237 = arith.constant 1 : i32
    scf.for %scan3A_286 = %scan3A_234 to %scan3A_236 step %scan3A_237  : i32 {
      %mul3A_287 = arith.constant 1 : i32
      %mul3A_288 = arith.muli %scan3A_286, %mul3A_287 : i32
      %add3A_289 = arith.constant 0 : i32
      %add3A_290 = arith.addi %add3A_289, %mul3A_288 : i32
      %mul3A_291 = arith.constant 16 : i32
      %mul3A_292 = arith.muli %add3A_290, %mul3A_291 : i32
      %get3A = arith.constant 0 : i32
      %get3A_293 = tpu.memref_slice %arg7[%scan3A_232, %scan3A_233, %get3A] : memref<4x2x128xi32, #tpu.memory_space<vmem>> -> memref<1x1x128xi32, #tpu.memory_space<vmem>>
      %get3A_294 = tpu.memref_squeeze %get3A_293 : memref<1x1x128xi32, #tpu.memory_space<vmem>> -> memref<128xi32, #tpu.memory_space<vmem>>
      %get3A_295 = arith.index_cast %mul3A_292 : i32 to index
      %get3A_296 = tpu.vector_load %get3A_294[%get3A_295] {strides = array<i32>} : memref<128xi32, #tpu.memory_space<vmem>>, vector<16xi32>,
      tpu.vector_store_idx %arg9[%get3A_296], %broadcast_in_dim3A_24 {add = true} : memref<10000xf32, #tpu.memory_space<vmem>>[vector<16xi32>], vector<16xf32>,
    }
    %scan3A_238 = arith.constant 8 : i32
    %dma_wait3A_239 = arith.constant 0 : i32
    %dma_wait3A_240 = arith.constant 0 : i32
    %dma_wait3A_241 = arith.constant 1 : i32
    %dma_wait3A_242 = arith.constant 0 : i32
    %dma_wait3A_243 = arith.constant 0 : i32
    %dma_wait3A_244 = tpu.memref_slice %arg8[%dma_wait3A_239, %dma_wait3A_242, %dma_wait3A_243] : memref<2x128x128xf32, #tpu.memory_space<vmem>> -> memref<1x128x128xf32, #tpu.memory_space<vmem>>
    %dma_wait3A_245 = tpu.memref_squeeze %dma_wait3A_244 : memref<1x128x128xf32, #tpu.memory_space<vmem>> -> memref<128x128xf32, #tpu.memory_space<vmem>>
    %dma_wait3A_246 = arith.constant 0 : i32
    %dma_wait3A_247 = tpu.memref_slice %arg7[%dma_wait3A_240, %dma_wait3A_241, %dma_wait3A_246] : memref<4x2x128xi32, #tpu.memory_space<vmem>> -> memref<1x1x128xi32, #tpu.memory_space<vmem>>
    %dma_wait3A_248 = tpu.memref_squeeze %dma_wait3A_247 : memref<1x1x128xi32, #tpu.memory_space<vmem>> -> memref<128xi32, #tpu.memory_space<vmem>>
    %dma_wait3A_249 = arith.constant 0 : i32
    %dma_wait3A_250 = arith.constant 0 : i32
    %dma_wait3A_251 = tpu.memref_slice %arg6[%dma_wait3A_249, %dma_wait3A_250] : memref<10000x128xf32, #tpu.memory_space<vmem_shared>> -> memref<10000x128xf32, #tpu.memory_space<vmem_shared>>
    tpu.wait_indirect_dma semaphore(%arg15 : memref<!tpu.dma_semaphore, #tpu.memory_space<semaphore_mem>>) src(%dma_wait3A_245 : memref<128x128xf32, #tpu.memory_space<vmem>>) dst(%dma_wait3A_251 : memref<10000x128xf32, #tpu.memory_space<vmem_shared>>)
    %dma_wait3A_252 = arith.constant 1 : i32
    %dma_wait3A_253 = arith.constant 1 : i32
    %dma_wait3A_254 = arith.constant 1 : i32
    %dma_wait3A_255 = arith.constant 0 : i32
    %dma_wait3A_256 = arith.constant 0 : i32
    %dma_wait3A_257 = tpu.memref_slice %arg8[%dma_wait3A_252, %dma_wait3A_255, %dma_wait3A_256] : memref<2x128x128xf32, #tpu.memory_space<vmem>> -> memref<1x128x128xf32, #tpu.memory_space<vmem>>
    %dma_wait3A_258 = tpu.memref_squeeze %dma_wait3A_257 : memref<1x128x128xf32, #tpu.memory_space<vmem>> -> memref<128x128xf32, #tpu.memory_space<vmem>>
    %dma_wait3A_259 = arith.constant 0 : i32
    %dma_wait3A_260 = tpu.memref_slice %arg7[%dma_wait3A_253, %dma_wait3A_254, %dma_wait3A_259] : memref<4x2x128xi32, #tpu.memory_space<vmem>> -> memref<1x1x128xi32, #tpu.memory_space<vmem>>
    %dma_wait3A_261 = tpu.memref_squeeze %dma_wait3A_260 : memref<1x1x128xi32, #tpu.memory_space<vmem>> -> memref<128xi32, #tpu.memory_space<vmem>>
    %dma_wait3A_262 = arith.constant 0 : i32
    %dma_wait3A_263 = arith.constant 0 : i32
    %dma_wait3A_264 = tpu.memref_slice %arg6[%dma_wait3A_262, %dma_wait3A_263] : memref<10000x128xf32, #tpu.memory_space<vmem_shared>> -> memref<10000x128xf32, #tpu.memory_space<vmem_shared>>
    tpu.wait_indirect_dma semaphore(%arg16 : memref<!tpu.dma_semaphore, #tpu.memory_space<semaphore_mem>>) src(%dma_wait3A_258 : memref<128x128xf32, #tpu.memory_space<vmem>>) dst(%dma_wait3A_264 : memref<10000x128xf32, #tpu.memory_space<vmem_shared>>)
    %lt3A = arith.constant 4 : i32
    %lt3A_265 = arith.cmpi slt, %add3A, %lt3A : i32
    %convert_element_type3A = arith.extui %lt3A_265 : i1 to i32
    %cond3A = arith.constant 0 : i32
    %cond3A_266 = arith.cmpi ne, %convert_element_type3A, %cond3A : i32
    scf.if %cond3A_266 {
      %add3A_286 = arith.constant 2496 : i32
      %add3A_287 = arith.addi %add3A_286, %add3A : i32
      %mul3A_288 = arith.constant 128 : i32
      %mul3A_289 = arith.muli %add3A_287, %mul3A_288 : i32
      %run_scoped3A = arith.constant 0 : i32
      "tpu.region"() ({
        %run_scoped3A_326 = tpu.sem_alloc : memref<!tpu.dma_semaphore, #tpu.memory_space<semaphore_mem>>
        %dma_start3A_327 = arith.constant 0 : i32
        %dma_start3A_328 = arith.constant 0 : i32
        %dma_start3A_329 = tpu.memref_slice %arg7[%run_scoped3A, %dma_start3A_327, %dma_start3A_328] : memref<4x2x128xi32, #tpu.memory_space<vmem>> -> memref<1x2x128xi32, #tpu.memory_space<vmem>>
        %dma_start3A_330 = tpu.memref_squeeze %dma_start3A_329 : memref<1x2x128xi32, #tpu.memory_space<vmem>> -> memref<2x128xi32, #tpu.memory_space<vmem>>
        %dma_start3A_331 = arith.constant 0 : i32
        %dma_start3A_332 = tpu.memref_slice %arg2[%dma_start3A_331, %mul3A_289] : memref<2x320000xi32, #tpu.memory_space<hbm>> -> memref<2x128xi32, #tpu.memory_space<hbm>>
        %dma_start3A_333 = arith.constant 0 : i32
        %dma_start3A_334 = arith.constant 0 : i32
        %dma_start3A_335 = tpu.memref_slice %arg7[%run_scoped3A, %dma_start3A_333, %dma_start3A_334] : memref<4x2x128xi32, #tpu.memory_space<vmem>> -> memref<1x2x128xi32, #tpu.memory_space<vmem>>
        %dma_start3A_336 = tpu.memref_squeeze %dma_start3A_335 : memref<1x2x128xi32, #tpu.memory_space<vmem>> -> memref<2x128xi32, #tpu.memory_space<vmem>>
        %dma_start3A_337 = arith.constant 0 : i32
        %dma_start3A_338 = tpu.memref_slice %arg2[%dma_start3A_337, %mul3A_289] : memref<2x320000xi32, #tpu.memory_space<hbm>> -> memref<2x128xi32, #tpu.memory_space<hbm>>
        tpu.enqueue_dma source(%dma_start3A_338 : memref<2x128xi32, #tpu.memory_space<hbm>>) target(%dma_start3A_336 : memref<2x128xi32, #tpu.memory_space<vmem>>) target_semaphore(%run_scoped3A_326 : memref<!tpu.dma_semaphore, #tpu.memory_space<semaphore_mem>>)
        %dma_wait3A_339 = arith.constant 0 : i32
        %dma_wait3A_340 = arith.constant 0 : i32
        %dma_wait3A_341 = tpu.memref_slice %arg7[%run_scoped3A, %dma_wait3A_339, %dma_wait3A_340] : memref<4x2x128xi32, #tpu.memory_space<vmem>> -> memref<1x2x128xi32, #tpu.memory_space<vmem>>
        %dma_wait3A_342 = tpu.memref_squeeze %dma_wait3A_341 : memref<1x2x128xi32, #tpu.memory_space<vmem>> -> memref<2x128xi32, #tpu.memory_space<vmem>>
        %dma_wait3A_343 = arith.constant 0 : i32
        %dma_wait3A_344 = tpu.memref_slice %arg2[%dma_wait3A_343, %mul3A_289] : memref<2x320000xi32, #tpu.memory_space<hbm>> -> memref<2x128xi32, #tpu.memory_space<hbm>>
        %dma_wait3A_345 = arith.constant 0 : i32
        %dma_wait3A_346 = arith.constant 0 : i32
        %dma_wait3A_347 = tpu.memref_slice %arg7[%run_scoped3A, %dma_wait3A_345, %dma_wait3A_346] : memref<4x2x128xi32, #tpu.memory_space<vmem>> -> memref<1x2x128xi32, #tpu.memory_space<vmem>>
        %dma_wait3A_348 = tpu.memref_squeeze %dma_wait3A_347 : memref<1x2x128xi32, #tpu.memory_space<vmem>> -> memref<2x128xi32, #tpu.memory_space<vmem>>
        %dma_wait3A_349 = arith.constant 0 : i32
        %dma_wait3A_350 = tpu.memref_slice %arg2[%dma_wait3A_349, %mul3A_289] : memref<2x320000xi32, #tpu.memory_space<hbm>> -> memref<2x128xi32, #tpu.memory_space<hbm>>
        tpu.wait_dma2 semaphore(%run_scoped3A_326 : memref<!tpu.dma_semaphore, #tpu.memory_space<semaphore_mem>>) src(%dma_wait3A_350 : memref<2x128xi32, #tpu.memory_space<hbm>>) dst(%dma_wait3A_348 : memref<2x128xi32, #tpu.memory_space<vmem>>)
        tpu.yield
      }) : () -> ()
      %dma_start3A_290 = arith.constant 0 : i32
      %dma_start3A_291 = arith.constant 0 : i32
      %dma_start3A_292 = arith.constant 0 : i32
      %dma_start3A_293 = arith.constant 0 : i32
      %dma_start3A_294 = arith.constant 0 : i32
      %dma_start3A_295 = tpu.memref_slice %arg8[%dma_start3A_292, %dma_start3A_293, %dma_start3A_294] : memref<2x128x128xf32, #tpu.memory_space<vmem>> -> memref<1x128x128xf32, #tpu.memory_space<vmem>>
      %dma_start3A_296 = tpu.memref_squeeze %dma_start3A_295 : memref<1x128x128xf32, #tpu.memory_space<vmem>> -> memref<128x128xf32, #tpu.memory_space<vmem>>
      %dma_start3A_297 = arith.constant 0 : i32
      %dma_start3A_298 = tpu.memref_slice %arg7[%dma_start3A_290, %dma_start3A_291, %dma_start3A_297] : memref<4x2x128xi32, #tpu.memory_space<vmem>> -> memref<1x1x128xi32, #tpu.memory_space<vmem>>
      %dma_start3A_299 = tpu.memref_squeeze %dma_start3A_298 : memref<1x1x128xi32, #tpu.memory_space<vmem>> -> memref<128xi32, #tpu.memory_space<vmem>>
      %dma_start3A_300 = arith.constant 0 : i32
      %dma_start3A_301 = arith.constant 0 : i32
      %dma_start3A_302 = tpu.memref_slice %arg3[%dma_start3A_300, %dma_start3A_301] : memref<10000x128xf32, #tpu.memory_space<hbm>> -> memref<10000x128xf32, #tpu.memory_space<hbm>>
      tpu.enqueue_indirect_dma source(%dma_start3A_302 : memref<10000x128xf32, #tpu.memory_space<hbm>>) target(%dma_start3A_296 : memref<128x128xf32, #tpu.memory_space<vmem>>) offsets(%dma_start3A_299 : memref<128xi32, #tpu.memory_space<vmem>>) semaphore(%arg13 : memref<!tpu.dma_semaphore, #tpu.memory_space<semaphore_mem>>)
      %dma_wait3A_303 = arith.constant 0 : i32
      %dma_wait3A_304 = arith.constant 0 : i32
      %dma_wait3A_305 = arith.constant 0 : i32
      %dma_wait3A_306 = arith.constant 0 : i32
      %dma_wait3A_307 = arith.constant 0 : i32
      %dma_wait3A_308 = tpu.memref_slice %arg8[%dma_wait3A_305, %dma_wait3A_306, %dma_wait3A_307] : memref<2x128x128xf32, #tpu.memory_space<vmem>> -> memref<1x128x128xf32, #tpu.memory_space<vmem>>
      %dma_wait3A_309 = tpu.memref_squeeze %dma_wait3A_308 : memref<1x128x128xf32, #tpu.memory_space<vmem>> -> memref<128x128xf32, #tpu.memory_space<vmem>>
      %dma_wait3A_310 = arith.constant 0 : i32
      %dma_wait3A_311 = tpu.memref_slice %arg7[%dma_wait3A_303, %dma_wait3A_304, %dma_wait3A_310] : memref<4x2x128xi32, #tpu.memory_space<vmem>> -> memref<1x1x128xi32, #tpu.memory_space<vmem>>
      %dma_wait3A_312 = tpu.memref_squeeze %dma_wait3A_311 : memref<1x1x128xi32, #tpu.memory_space<vmem>> -> memref<128xi32, #tpu.memory_space<vmem>>
      %dma_wait3A_313 = arith.constant 0 : i32
      %dma_wait3A_314 = arith.constant 0 : i32
      %dma_wait3A_315 = tpu.memref_slice %arg3[%dma_wait3A_313, %dma_wait3A_314] : memref<10000x128xf32, #tpu.memory_space<hbm>> -> memref<10000x128xf32, #tpu.memory_space<hbm>>
      tpu.wait_indirect_dma semaphore(%arg13 : memref<!tpu.dma_semaphore, #tpu.memory_space<semaphore_mem>>) src(%dma_wait3A_315 : memref<10000x128xf32, #tpu.memory_space<hbm>>) dst(%dma_wait3A_309 : memref<128x128xf32, #tpu.memory_space<vmem>>)
      %run_scoped3A_316 = arith.constant 0 : i32
      %run_scoped3A_317 = arith.constant 0 : i32
      %run_scoped3A_318 = arith.constant 1 : i32
      "tpu.region"() ({
        %run_scoped3A_326 = tpu.sem_alloc : memref<!tpu.dma_semaphore, #tpu.memory_space<semaphore_mem>>
        %dma_start3A_327 = arith.constant 0 : i32
        %dma_start3A_328 = arith.constant 0 : i32
        %dma_start3A_329 = tpu.memref_slice %arg8[%run_scoped3A_316, %dma_start3A_327, %dma_start3A_328] : memref<2x128x128xf32, #tpu.memory_space<vmem>> -> memref<1x128x128xf32, #tpu.memory_space<vmem>>
        %dma_start3A_330 = tpu.memref_squeeze %dma_start3A_329 : memref<1x128x128xf32, #tpu.memory_space<vmem>> -> memref<128x128xf32, #tpu.memory_space<vmem>>
        %dma_start3A_331 = arith.constant 0 : i32
        %dma_start3A_332 = tpu.memref_slice %arg7[%run_scoped3A_317, %run_scoped3A_318, %dma_start3A_331] : memref<4x2x128xi32, #tpu.memory_space<vmem>> -> memref<1x1x128xi32, #tpu.memory_space<vmem>>
        %dma_start3A_333 = tpu.memref_squeeze %dma_start3A_332 : memref<1x1x128xi32, #tpu.memory_space<vmem>> -> memref<128xi32, #tpu.memory_space<vmem>>
        %dma_start3A_334 = arith.constant 0 : i32
        %dma_start3A_335 = arith.constant 0 : i32
        %dma_start3A_336 = tpu.memref_slice %arg6[%dma_start3A_334, %dma_start3A_335] : memref<10000x128xf32, #tpu.memory_space<vmem_shared>> -> memref<10000x128xf32, #tpu.memory_space<vmem_shared>>
        tpu.enqueue_indirect_dma source(%dma_start3A_330 : memref<128x128xf32, #tpu.memory_space<vmem>>) target(%dma_start3A_336 : memref<10000x128xf32, #tpu.memory_space<vmem_shared>>) offsets(%dma_start3A_333 : memref<128xi32, #tpu.memory_space<vmem>>) semaphore(%run_scoped3A_326 : memref<!tpu.dma_semaphore, #tpu.memory_space<semaphore_mem>>) {add = true}
        %dma_wait3A_337 = arith.constant 0 : i32
        %dma_wait3A_338 = arith.constant 0 : i32
        %dma_wait3A_339 = tpu.memref_slice %arg8[%run_scoped3A_316, %dma_wait3A_337, %dma_wait3A_338] : memref<2x128x128xf32, #tpu.memory_space<vmem>> -> memref<1x128x128xf32, #tpu.memory_space<vmem>>
        %dma_wait3A_340 = tpu.memref_squeeze %dma_wait3A_339 : memref<1x128x128xf32, #tpu.memory_space<vmem>> -> memref<128x128xf32, #tpu.memory_space<vmem>>
        %dma_wait3A_341 = arith.constant 0 : i32
        %dma_wait3A_342 = tpu.memref_slice %arg7[%run_scoped3A_317, %run_scoped3A_318, %dma_wait3A_341] : memref<4x2x128xi32, #tpu.memory_space<vmem>> -> memref<1x1x128xi32, #tpu.memory_space<vmem>>
        %dma_wait3A_343 = tpu.memref_squeeze %dma_wait3A_342 : memref<1x1x128xi32, #tpu.memory_space<vmem>> -> memref<128xi32, #tpu.memory_space<vmem>>
        %dma_wait3A_344 = arith.constant 0 : i32
        %dma_wait3A_345 = arith.constant 0 : i32
        %dma_wait3A_346 = tpu.memref_slice %arg6[%dma_wait3A_344, %dma_wait3A_345] : memref<10000x128xf32, #tpu.memory_space<vmem_shared>> -> memref<10000x128xf32, #tpu.memory_space<vmem_shared>>
        tpu.wait_indirect_dma semaphore(%run_scoped3A_326 : memref<!tpu.dma_semaphore, #tpu.memory_space<semaphore_mem>>) src(%dma_wait3A_340 : memref<128x128xf32, #tpu.memory_space<vmem>>) dst(%dma_wait3A_346 : memref<10000x128xf32, #tpu.memory_space<vmem_shared>>)
        tpu.yield
      }) : () -> ()
      %scan3A_319 = arith.constant 0 : i32
      %scan3A_320 = arith.constant 1 : i32
      %scan3A_321 = arith.constant 0 : i32
      %scan3A_322 = arith.constant 8 : i32
      %scan3A_323 = arith.addi %scan3A_321, %scan3A_322 : i32
      %scan3A_324 = arith.constant 1 : i32
      scf.for %scan3A_326 = %scan3A_321 to %scan3A_323 step %scan3A_324  : i32 {
        %mul3A_327 = arith.constant 1 : i32
        %mul3A_328 = arith.muli %scan3A_326, %mul3A_327 : i32
        %add3A_329 = arith.constant 0 : i32
        %add3A_330 = arith.addi %add3A_329, %mul3A_328 : i32
        %mul3A_331 = arith.constant 16 : i32
        %mul3A_332 = arith.muli %add3A_330, %mul3A_331 : i32
        %get3A = arith.constant 0 : i32
        %get3A_333 = tpu.memref_slice %arg7[%scan3A_319, %scan3A_320, %get3A] : memref<4x2x128xi32, #tpu.memory_space<vmem>> -> memref<1x1x128xi32, #tpu.memory_space<vmem>>
        %get3A_334 = tpu.memref_squeeze %get3A_333 : memref<1x1x128xi32, #tpu.memory_space<vmem>> -> memref<128xi32, #tpu.memory_space<vmem>>
        %get3A_335 = arith.index_cast %mul3A_332 : i32 to index
        %get3A_336 = tpu.vector_load %get3A_334[%get3A_335] {strides = array<i32>} : memref<128xi32, #tpu.memory_space<vmem>>, vector<16xi32>,
        tpu.vector_store_idx %arg9[%get3A_336], %broadcast_in_dim3A_24 {add = true} : memref<10000xf32, #tpu.memory_space<vmem>>[vector<16xi32>], vector<16xf32>,
      }
      %scan3A_325 = arith.constant 8 : i32
    } else {
    }
    %barrier3A_267 = arith.constant 0 : index
    tpu.barrier barrier_id(%barrier3A_267)
    %lt3A_268 = arith.constant 10 : i32
    %lt3A_269 = arith.cmpi slt, %arg1, %lt3A_268 : i32
    %convert_element_type3A_270 = arith.extui %lt3A_269 : i1 to i32
    %cond3A_271 = arith.constant 0 : i32
    %cond3A_272 = arith.cmpi ne, %convert_element_type3A_270, %cond3A_271 : i32
    scf.if %cond3A_272 {
      %mul3A_286 = arith.constant 1000 : i32
      %mul3A_287 = arith.muli %arg1, %mul3A_286 : i32
      %dma_start3A_288 = arith.constant 0 : i32
      %dma_start3A_289 = arith.constant 0 : i32
      %dma_start3A_290 = tpu.memref_slice %arg4[%arg0, %dma_start3A_288, %dma_start3A_289] : memref<2x10000x128xf32, #tpu.memory_space<hbm>> -> memref<1x10000x128xf32, #tpu.memory_space<hbm>>
      %dma_start3A_291 = tpu.memref_squeeze %dma_start3A_290 : memref<1x10000x128xf32, #tpu.memory_space<hbm>> -> memref<10000x128xf32, #tpu.memory_space<hbm>>
      %dma_start3A_292 = arith.constant 0 : i32
      %dma_start3A_293 = tpu.memref_slice %dma_start3A_291[%mul3A_287, %dma_start3A_292] : memref<10000x128xf32, #tpu.memory_space<hbm>> -> memref<1000x128xf32, #tpu.memory_space<hbm>>
      %dma_start3A_294 = arith.constant 0 : i32
      %dma_start3A_295 = tpu.memref_slice %arg6[%mul3A_287, %dma_start3A_294] : memref<10000x128xf32, #tpu.memory_space<vmem_shared>> -> memref<1000x128xf32, #tpu.memory_space<vmem_shared>>
      tpu.enqueue_dma source(%dma_start3A_295 : memref<1000x128xf32, #tpu.memory_space<vmem_shared>>) target(%dma_start3A_293 : memref<1000x128xf32, #tpu.memory_space<hbm>>) target_semaphore(%arg13 : memref<!tpu.dma_semaphore, #tpu.memory_space<semaphore_mem>>)
    } else {
    }
    %mul3A_273 = arith.constant 10000 : i32
    %mul3A_274 = arith.muli %add3A, %mul3A_273 : i32
    %dma_start3A_275 = tpu.memref_slice %arg5[%mul3A_274] : memref<320000xf32, #tpu.memory_space<hbm>> -> memref<10000xf32, #tpu.memory_space<hbm>>
    %dma_start3A_276 = tpu.memref_slice %arg5[%mul3A_274] : memref<320000xf32, #tpu.memory_space<hbm>> -> memref<10000xf32, #tpu.memory_space<hbm>>
    tpu.enqueue_dma source(%arg9 : memref<10000xf32, #tpu.memory_space<vmem>>) target(%dma_start3A_276 : memref<10000xf32, #tpu.memory_space<hbm>>) target_semaphore(%arg14 : memref<!tpu.dma_semaphore, #tpu.memory_space<semaphore_mem>>)
    %mul3A_277 = arith.constant 10000 : i32
    %mul3A_278 = arith.muli %add3A, %mul3A_277 : i32
    %dma_wait3A_279 = tpu.memref_slice %arg5[%mul3A_278] : memref<320000xf32, #tpu.memory_space<hbm>> -> memref<10000xf32, #tpu.memory_space<hbm>>
    %dma_wait3A_280 = tpu.memref_slice %arg5[%mul3A_278] : memref<320000xf32, #tpu.memory_space<hbm>> -> memref<10000xf32, #tpu.memory_space<hbm>>
    tpu.wait_dma2 semaphore(%arg14 : memref<!tpu.dma_semaphore, #tpu.memory_space<semaphore_mem>>) src(%arg9 : memref<10000xf32, #tpu.memory_space<vmem>>) dst(%dma_wait3A_280 : memref<10000xf32, #tpu.memory_space<hbm>>)
    %lt3A_281 = arith.constant 10 : i32
    %lt3A_282 = arith.cmpi slt, %arg1, %lt3A_281 : i32
    %convert_element_type3A_283 = arith.extui %lt3A_282 : i1 to i32
    %cond3A_284 = arith.constant 0 : i32
    %cond3A_285 = arith.cmpi ne, %convert_element_type3A_283, %cond3A_284 : i32
    scf.if %cond3A_285 {
      %mul3A_286 = arith.constant 1000 : i32
      %mul3A_287 = arith.muli %arg1, %mul3A_286 : i32
      %dma_wait3A_288 = arith.constant 0 : i32
      %dma_wait3A_289 = arith.constant 0 : i32
      %dma_wait3A_290 = tpu.memref_slice %arg4[%arg0, %dma_wait3A_288, %dma_wait3A_289] : memref<2x10000x128xf32, #tpu.memory_space<hbm>> -> memref<1x10000x128xf32, #tpu.memory_space<hbm>>
      %dma_wait3A_291 = tpu.memref_squeeze %dma_wait3A_290 : memref<1x10000x128xf32, #tpu.memory_space<hbm>> -> memref<10000x128xf32, #tpu.memory_space<hbm>>
      %dma_wait3A_292 = arith.constant 0 : i32
      %dma_wait3A_293 = tpu.memref_slice %dma_wait3A_291[%mul3A_287, %dma_wait3A_292] : memref<10000x128xf32, #tpu.memory_space<hbm>> -> memref<1000x128xf32, #tpu.memory_space<hbm>>
      %dma_wait3A_294 = arith.constant 0 : i32
      %dma_wait3A_295 = tpu.memref_slice %arg6[%mul3A_287, %dma_wait3A_294] : memref<10000x128xf32, #tpu.memory_space<vmem_shared>> -> memref<1000x128xf32, #tpu.memory_space<vmem_shared>>
      tpu.wait_dma2 semaphore(%arg13 : memref<!tpu.dma_semaphore, #tpu.memory_space<semaphore_mem>>) src(%dma_wait3A_295 : memref<1000x128xf32, #tpu.memory_space<vmem_shared>>) dst(%dma_wait3A_293 : memref<1000x128xf32, #tpu.memory_space<hbm>>)
    } else {
    }
    return
  }
}

module attributes {stable_mosaic.version = 14 : i64} {
  func.func @body(%arg0: memref<2x10000x128xf32, #tpu.memory_space<vmem>>, %arg1: memref<32x10000xf32, #tpu.memory_space<vmem>>, %arg2: memref<10000x128xf32, #tpu.memory_space<vmem>>, %arg3: memref<128x128xf32, #tpu.memory_space<vmem>>, %arg4: memref<1x128xf32, #tpu.memory_space<vmem>>, %arg5: memref<128x128xf32, #tpu.memory_space<vmem>>, %arg6: memref<128x1xf32, #tpu.memory_space<vmem>>, %arg7: memref<1x1xf32, #tpu.memory_space<vmem>>, %arg8: memref<10000x1xf32, #tpu.memory_space<vmem>>, %arg9: memref<1x1xf32, #tpu.memory_space<vmem>>, %arg10: memref<10000x1xf32, #tpu.memory_space<vmem>>) attributes {dimension_semantics = [], scalar_prefetch = 0 : i64, scratch_operands = 0 : i64, tpu.core_type = #tpu.core_type<tc>} {
    %get3A = arith.constant 0 : index
    %get3A_0 = arith.constant 0 : index
    %get3A_1 = arith.constant 0 : index
    %get3A_2 = vector.load %arg0[%get3A, %get3A_0, %get3A_1] : memref<2x10000x128xf32, #tpu.memory_space<vmem>>, vector<1x10000x128xf32>
    %get3A_3 = vector.shape_cast %get3A_2 : vector<1x10000x128xf32> to vector<10000x128xf32>
    %get3A_4 = arith.constant 1 : index
    %get3A_5 = arith.constant 0 : index
    %get3A_6 = arith.constant 0 : index
    %get3A_7 = vector.load %arg0[%get3A_4, %get3A_5, %get3A_6] : memref<2x10000x128xf32, #tpu.memory_space<vmem>>, vector<1x10000x128xf32>
    %get3A_8 = vector.shape_cast %get3A_7 : vector<1x10000x128xf32> to vector<10000x128xf32>
    %add3A = arith.addf %get3A_3, %get3A_8 : vector<10000x128xf32>
    %get3A_9 = arith.constant 0 : index
    %get3A_10 = arith.constant 0 : index
    %get3A_11 = vector.load %arg1[%get3A_9, %get3A_10] : memref<32x10000xf32, #tpu.memory_space<vmem>>, vector<32x10000xf32>
    %reduce_sum3A = arith.constant dense<0.000000e+00> : vector<10000xf32>
    %reduce_sum3A_12 = vector.multi_reduction <add>, %get3A_11, %reduce_sum3A [0] : vector<32x10000xf32> to vector<10000xf32>
    %reshape3A = vector.shape_cast %reduce_sum3A_12 : vector<10000xf32> to vector<10000x1xf32>
    %max3A = arith.constant 1.000000e+00 : f32
    %max3A_13 = vector.broadcast %max3A : f32 to vector<10000x1xf32>
    %max3A_14 = arith.maximumf %reshape3A, %max3A_13 : vector<10000x1xf32>
    %div3A = vector.broadcast %max3A_14 : vector<10000x1xf32> to vector<10000x128xf32>
    %div3A_15 = arith.divf %add3A, %div3A : vector<10000x128xf32>
    %get3A_16 = arith.constant 0 : index
    %get3A_17 = arith.constant 0 : index
    %get3A_18 = vector.load %arg3[%get3A_16, %get3A_17] : memref<128x128xf32, #tpu.memory_space<vmem>>, vector<128x128xf32>
    %dot_general3A = arith.constant dense<0.000000e+00> : vector<10000x128xf32>
    %dot_general3A_19 = tpu.matmul %div3A_15, %get3A_18, %dot_general3A {dimension_numbers = #tpu.dot_dimension_numbers<[1], [1], [0], [0], [0, 0, 1, 0], [], []>, transpose_lhs_hint = false} : vector<10000x128xf32>, vector<128x128xf32>, vector<10000x128xf32> -> vector<10000x128xf32>
    %get3A_20 = arith.constant 0 : index
    %get3A_21 = arith.constant 0 : index
    %get3A_22 = vector.load %arg2[%get3A_20, %get3A_21] : memref<10000x128xf32, #tpu.memory_space<vmem>>, vector<10000x128xf32>
    %get3A_23 = arith.constant 0 : index
    %get3A_24 = arith.constant 0 : index
    %get3A_25 = vector.load %arg5[%get3A_23, %get3A_24] : memref<128x128xf32, #tpu.memory_space<vmem>>, vector<128x128xf32>
    %dot_general3A_26 = arith.constant dense<0.000000e+00> : vector<10000x128xf32>
    %dot_general3A_27 = tpu.matmul %get3A_22, %get3A_25, %dot_general3A_26 {dimension_numbers = #tpu.dot_dimension_numbers<[1], [1], [0], [0], [0, 0, 1, 0], [], []>, transpose_lhs_hint = false} : vector<10000x128xf32>, vector<128x128xf32>, vector<10000x128xf32> -> vector<10000x128xf32>
    %add3A_28 = arith.addf %dot_general3A_19, %dot_general3A_27 : vector<10000x128xf32>
    %get3A_29 = arith.constant 0 : index
    %get3A_30 = arith.constant 0 : index
    %get3A_31 = vector.load %arg4[%get3A_29, %get3A_30] : memref<1x128xf32, #tpu.memory_space<vmem>>, vector<1x128xf32>
    %add3A_32 = vector.broadcast %get3A_31 : vector<1x128xf32> to vector<10000x128xf32>
    %add3A_33 = arith.addf %add3A_28, %add3A_32 : vector<10000x128xf32>
    %max3A_34 = arith.constant 0.000000e+00 : f32
    %max3A_35 = vector.broadcast %max3A_34 : f32 to vector<10000x128xf32>
    %max3A_36 = arith.maximumf %add3A_33, %max3A_35 : vector<10000x128xf32>
    %get3A_37 = arith.constant 0 : index
    %get3A_38 = arith.constant 0 : index
    %get3A_39 = vector.load %arg6[%get3A_37, %get3A_38] : memref<128x1xf32, #tpu.memory_space<vmem>>, vector<128x1xf32>
    %dot_general3A_40 = arith.constant dense<0.000000e+00> : vector<10000x1xf32>
    %dot_general3A_41 = tpu.matmul %max3A_36, %get3A_39, %dot_general3A_40 {dimension_numbers = #tpu.dot_dimension_numbers<[1], [0], [0], [1], [0, 0, 1, 1], [], []>, transpose_lhs_hint = false} : vector<10000x128xf32>, vector<128x1xf32>, vector<10000x1xf32> -> vector<10000x1xf32>
    %get3A_42 = arith.constant 0 : index
    %get3A_43 = arith.constant 0 : index
    %get3A_44 = vector.load %arg7[%get3A_42, %get3A_43] : memref<1x1xf32, #tpu.memory_space<vmem>>, vector<1x1xf32>
    %get3A_45 = vector.extract %get3A_44[0, 0] : f32 from vector<1x1xf32>
    %add3A_46 = vector.broadcast %get3A_45 : f32 to vector<10000x1xf32>
    %add3A_47 = arith.addf %dot_general3A_41, %add3A_46 : vector<10000x1xf32>
    %get3A_48 = arith.constant 0 : index
    %get3A_49 = arith.constant 0 : index
    %get3A_50 = vector.load %arg9[%get3A_48, %get3A_49] : memref<1x1xf32, #tpu.memory_space<vmem>>, vector<1x1xf32>
    %get3A_51 = vector.extract %get3A_50[0, 0] : f32 from vector<1x1xf32>
    %logistic3A = arith.negf %get3A_51 : f32
    %logistic3A_52 = math.exp %logistic3A : f32
    %logistic3A_53 = arith.constant 1.000000e+00 : f32
    %logistic3A_54 = arith.addf %logistic3A_53, %logistic3A_52 : f32
    %logistic3A_55 = arith.divf %logistic3A_53, %logistic3A_54 : f32
    %get3A_56 = arith.constant 0 : index
    %get3A_57 = arith.constant 0 : index
    %get3A_58 = vector.load %arg8[%get3A_56, %get3A_57] : memref<10000x1xf32, #tpu.memory_space<vmem>>, vector<10000x1xf32>
    %mul3A = vector.broadcast %logistic3A_55 : f32 to vector<10000x1xf32>
    %mul3A_59 = arith.mulf %mul3A, %get3A_58 : vector<10000x1xf32>
    %sub3A = arith.constant 1.000000e+00 : f32
    %sub3A_60 = arith.subf %sub3A, %logistic3A_55 : f32
    %mul3A_61 = vector.broadcast %sub3A_60 : f32 to vector<10000x1xf32>
    %mul3A_62 = arith.mulf %mul3A_61, %add3A_47 : vector<10000x1xf32>
    %add3A_63 = arith.addf %mul3A_59, %mul3A_62 : vector<10000x1xf32>
    %swap3A = arith.constant 0 : index
    %swap3A_64 = arith.constant 0 : index
    %swap3A_65 = vector.load %arg10[%swap3A, %swap3A_64] : memref<10000x1xf32, #tpu.memory_space<vmem>>, vector<10000x1xf32>
    tpu.vector_store %arg10[%swap3A, %swap3A_64], %add3A_63 {strides = array<i32>} : memref<10000x1xf32, #tpu.memory_space<vmem>>, vector<10000x1xf32>,
    return
  }
}

</mosaic_0001>

<sc_bundles>
// kernel: kernel.4.cloned.1.call-start
scs
__scs_entry_jumppad:
0x0: {  	(pc) =	sbr.rel $0x88, $3  }
0x1: {  	(tag) =	ssettag $0x0;
	lr =	simm.s32 $0x1  }
0x2: {  	[smem:$0x3F98] =	sst lr;
	_ =	strace $0xD0000000  }
0x3: {  	_ = 	snop  }
0x4: {  	_ = 	snop  }
0x5: {  	_ = 	snop  }
0x6: {  	_ = 	snop  }
0x7: {  	_ = 	snop  }
__scs_overlays_trampoline_lowered:
0x8: {  	[smem:$0x3FA7] =	sst s0  }
0x9: {  	[smem:$0x3FA8] =	sst s1  }
0xa: {  	[smem:$0x3FA9] =	sst s2  }
0xb: {  	[smem:$0x3FAA] =	sst s3  }
0xc: {  	[smem:$0x3FAB] =	sst s4  }
0xd: {  	[smem:$0x3FAC] =	sst s5  }
0xe: {  	[smem:$0x3FAD] =	sst s6  }
0xf: {  	[smem:$0x3FAE] =	sst s7  }
0x10: {  	[smem:$0x3FAF] =	sst s8  }
0x11: {  	[smem:$0x3FB0] =	sst s9;
	s0 =	simm.s32 @!p0 $0x0  }
0x12: {  	s1 =	sld [smem:$0x3F96];
	s0 =	simm.s32 @p0 $0x1  }
0x13: {  	[smem:$0x3FB1] =	sst s0;
	s0 =	simm.s32 @!p1 $0x0  }
0x14: {  	s2 =	sld [smem:$0x3F95];
	s0 =	simm.s32 @p1 $0x1  }
0x15: {  	[smem:$0x3FB2] =	sst s0;
	s0 =	simm.s32 @!p2 $0x0  }
0x16: {  	s3 =	sld [smem:$0x3FDB];
	s0 =	simm.s32 @p2 $0x1  }
0x17: {  	s4 =	simm.s32 $0x1BF5;
	[smem:$0x3FB4] =	sst s0  }
0x18: {  	s0 =	sld [smem:$0x3F97];
	_ =	swait.ge [sflag:s4], $0x0  }
0x19: {  	s7 =	sld [smem:$0x3F98]  }
0x1a: {  	s8 =	sadd.s32 $0xFFFFE003, lr  }
0x1b: {  	s9 =	sadd.s32 $0xFFFFFEF7, lr;
	s5 =	simm.s32 $0xFFFFFFFF;
	p2 =	slt.u32 s8, $0xFFFFF086  }
0x1c: {  	p1 =	slt.u32 s9, $0xF7A;
	s5 =	simm.s32 @!p2 $0x0  }
0x1d: {  	s5 =	simm.s32 @p1 $0x1;
	p0 =	seq.s32 s7, s2  }
0x1e: {  	s7 =	smul.u32 @!p0 $0xF7A, s2;
	p2 =	seq.s32 @!p0 s5, $0x0  }
0x1f: {  	s9 =	smul.u32 $0xF7A, s1;
	s8 =	simm.s32 @!p0 $0x1BF5;
	p2 =	por !p2, p0  }
0x20: {  	[sflag:s8] =	ssyncset.s32 @!p0 $0xFFFFF086;
	s6 =	sadd.s32 @!p0 s3, s7;
	s7 =	simm.s32 @!p0 $0x108  }
0x21: {  	s3 =	sadd.s32 s3, s9;
	s6 =	sadd.s32 @!p0 $0x88, s6;
	s7 =	simm.s32 @p2 $0x1082  }
0x22: {  	[simem:s7], [sflag:s8] =	dma.local @!p0 [hbm:s6], $0xF7A  }
0x23: {  	s9 =	sor.u32 $0xD0000000, s2;
	s6 =	simm.s32 $0x108;
	_ =	swait.ge @!p0 [sflag:s8], $0x0  }
0x24: {  	s3 =	sadd.s32 $0x88, s3;
	s6 =	simm.s32 @!p1 $0x1082;
	[sflag:s4] =	ssyncset.s32 $0xFFFFF086  }
0x25: {  	[simem:s6], [sflag:s4] =	dma.local [hbm:s3], $0xF7A  }
0x26: {  	[smem:$0x3F98] =	sst s1;
	(tag) =	ssettag s2;
	_ =	strace s9  }
0x27: {  	s1 =	sld [smem:$0x3FA8]  }
0x28: {  	s2 =	sld [smem:$0x3FA9]  }
0x29: {  	s4 =	sld [smem:$0x3FAB]  }
0x2a: {  	p0 =	seq.s32 s5, $0x0;
	s5 =	sld [smem:$0x3FAC]  }
0x2b: {  	s6 =	sld [smem:$0x3FAD]  }
0x2c: {  	s7 =	sld [smem:$0x3FAE]  }
0x2d: {  	s3 =	simm.s32 $0x108;
	s8 =	sld [smem:$0x3FAF]  }
0x2e: {  	s3 =	simm.s32 @!p0 $0x1082;
	s9 =	sld [smem:$0x3FB0]  }
0x2f: {  	lr =	sadd.s32 s0, s3;
	s0 =	sld [smem:$0x3FA7]  }
0x30: {  	s3 =	sld [smem:$0x3FAA]  }
0x31: {  	[smem:$0x3FB3] =	sst s10  }
0x32: {  	s10 =	sld [smem:$0x3FB1];
	_ =	sdelay $0x3  }
0x33: {  	p0 =	seq.s32 s10, $0x1;
	s10 =	sld [smem:$0x3FB3];
	_ =	sdelay $0x3  }
0x34: {  	[smem:$0x3FB3] =	sst s10  }
0x35: {  	s10 =	sld [smem:$0x3FB2];
	_ =	sdelay $0x3  }
0x36: {  	p1 =	seq.s32 s10, $0x1;
	s10 =	sld [smem:$0x3FB3];
	_ =	sdelay $0x3  }
0x37: {  	[smem:$0x3FB3] =	sst s10  }
0x38: {  	s10 =	sld [smem:$0x3FB4]  }
0x39: {  	_ = 	snop;
	(pc) =	sbr.ind lr, $3  }
0x3a: {  	_ = 	snop  }
0x3b: {  	_ = 	snop  }
0x3c: {  	p2 =	seq.s32 s10, $0x1;
	s10 =	sld [smem:$0x3FB3]  }
0x3d: {  	_ =	shalt  }
0x3e: {  	_ =	shalt  }
0x3f: {  	_ =	shalt  }
0x40: {  	_ =	shalt  }
0x41: {  	_ =	shalt  }
0x42: {  	_ =	shalt  }
0x43: {  	_ =	shalt  }
0x44: {  	_ =	shalt  }
0x45: {  	_ =	shalt  }
0x46: {  	_ =	shalt  }
0x47: {  	_ =	shalt  }
0x48: {  	_ =	shalt  }
0x49: {  	_ =	shalt  }
0x4a: {  	_ =	shalt  }
0x4b: {  	_ =	shalt  }
0x4c: {  	_ =	shalt  }
0x4d: {  	_ =	shalt  }
0x4e: {  	_ =	shalt  }
0x4f: {  	_ =	shalt  }
0x50: {  	_ =	shalt  }
0x51: {  	_ =	shalt  }
0x52: {  	_ =	shalt  }
0x53: {  	_ =	shalt  }
0x54: {  	_ =	shalt  }
0x55: {  	_ =	shalt  }
0x56: {  	_ =	shalt  }
0x57: {  	_ =	shalt  }
0x58: {  	_ =	shalt  }
0x59: {  	_ =	shalt  }
0x5a: {  	_ =	shalt  }
0x5b: {  	_ =	shalt  }
0x5c: {  	_ =	shalt  }
0x5d: {  	_ =	shalt  }
0x5e: {  	_ =	shalt  }
0x5f: {  	_ =	shalt  }
0x60: {  	_ =	shalt  }
0x61: {  	_ =	shalt  }
0x62: {  	_ =	shalt  }
0x63: {  	_ =	shalt  }
0x64: {  	_ =	shalt  }
0x65: {  	_ =	shalt  }
0x66: {  	_ =	shalt  }
0x67: {  	_ =	shalt  }
0x68: {  	_ =	shalt  }
0x69: {  	_ =	shalt  }
0x6a: {  	_ =	shalt  }
0x6b: {  	_ =	shalt  }
0x6c: {  	_ =	shalt  }
0x6d: {  	_ =	shalt  }
0x6e: {  	_ =	shalt  }
0x6f: {  	_ =	shalt  }
0x70: {  	_ =	shalt  }
0x71: {  	_ =	shalt  }
0x72: {  	_ =	shalt  }
0x73: {  	_ =	shalt  }
0x74: {  	_ =	shalt  }
0x75: {  	_ =	shalt  }
0x76: {  	_ =	shalt  }
0x77: {  	_ =	shalt  }
0x78: {  	_ =	shalt  }
0x79: {  	_ =	shalt  }
0x7a: {  	_ =	shalt  }
0x7b: {  	_ =	shalt  }
0x7c: {  	_ =	shalt  }
0x7d: {  	_ =	shalt  }
0x7e: {  	_ =	shalt  }
0x7f: {  	_ =	shalt  }
0x80: {  	_ =	shalt  }
0x81: {  	_ =	shalt  }
0x82: {  	_ =	shalt  }
0x83: {  	_ =	shalt  }
0x84: {  	_ =	shalt  }
0x85: {  	_ =	shalt  }
0x86: {  	_ =	shalt  }
0x87: {  	_ =	shalt  }
.Lfunc_end0:
.L_simem_size_0:
called_computation_lowered:
.L_overlay_start_0:
0x88: {  	s2 =	sld [smem:$0x3FD9]  }
0x89: {  	s3 =	sld [smem:$0x3FFE];
	_ =	sdelay $0x1  }
0x8a: {  	s1 =	srdreg.scid  }
0x8b: {  	s0 =	sand.u32 $0x1, s1  }
0x8c: {  	s17 =	sshll.u32 s0, $0xA;
	s2 =	sadd.s32 s3, s2  }
0x8d: {  	s2 =	sadd.s32 s2, s17  }
0x8e: {  	[smem:$0x3FBF] =	sst s2  }
0x8f: {  	_ = 	snop  }
0x90: {  	s2 =	sld [smem:$0x3FC9]  }
0x91: {  	s18 =	sld [smem:$0x3FC8];
	(tm) =	ssettm $0x1  }
0x92: {  	s4 =	sld [smem:$0x3FFB];
	_ =	sdelay $0x3  }
0x93: {  	_ =	strace s4  }
0x94: {  	s4 =	sld [smem:$0x3FFC];
	_ =	sdelay $0x3  }
0x95: {  	_ =	strace s4  }
0x96: {  	s4 =	sld [smem:$0x3FFD];
	_ =	sdelay $0x3  }
0x97: {  	_ =	strace s4  }
0x98: {  	_ =	strace $0x8FFFFFFF  }
0x99: {  	s19 =	sld [smem:$0x3FDB];
	_ =	sdelay $0x1  }
0x9a: {  	s5 =	simm.s32 $_scs_section_size  }
0x9b: {  	s6 =	simm.s32 $_size__tile_overlayer_lowered;
	s7 =	simm.s32 $_tile_overlayer_lowered  }
0x9c: {  	s22 =	simm.s32 $0x1BFF;
	s21 =	sshll.u32 s7, $0x1;
	s4 =	sadd.s32 s5, s19  }
0x9d: {  	s8 =	simm.s32 $0x0;
	s20 =	sshll.u32 s6, $0x1;
	s6 =	sadd.s32 s21, s4  }
0x9e: {  	[timem:s8], [sflag:s22] =	dma.local [hbm:s6], s20  }
0x9f: {  	_ =	swait.ge [sflag:s22], s20  }
0xa0: {  	s5 =	ssub.s32 $0x0, s20;
	[sflag:s22] =	ssyncset.done $0x0  }
0xa1: {  	[sflag:s22] =	ssyncadd.s32 s5;
	_ =	sdelay $0x1  }
0xa2: {  	s23 =	simm.s32 $0x1B8B  }
0xa3: {  	_ =	swait.ge [sflag:s23], $0x1  }
0xa4: {  	[sflag:s23] =	ssyncset.done $0x0  }
0xa5: {  	s25 =	simm.s32 $0x1B8E;
	s24 =	sld [smem:$0x3FFE];
	[sflag:s23] =	ssyncadd.s32 $0xFFFFFFFF  }
0xa6: {  	s26 =	simm.s32 $execute0_lowered;
	[smem:$0x3FD2] =	sst s25  }
0xa7: {  	s6 =	sshll.u32 s26, $0x1;
	_ =	strace $0x80000046;
	[dreg:$0x1] =	wrdreg $0xFFFFFFFF  }
0xa8: {  	s28 =	simm.s32 $_size_execute0_lowered;
	s4 =	sadd.s32 s4, s6;
	[dreg:$0x0] =	wrdreg $0x0  }
0xa9: {  	s6 =	sshll.u32 s28, $0x1;
	[dreg:$0x2] =	wrdreg s4  }
0xaa: {  	[dreg:$0x3] =	wrdreg s6  }
0xab: {  	[dreg:$0x4] =	wrdreg $0xC0  }
0xac: {  	_ =	task [dreg:s8], $0x5FFFF  }
0xad: {  	[dreg:$0x1] =	wrdreg $0xFFFFFFFF  }
0xae: {  	[dreg:$0x0] =	wrdreg $0x60  }
0xaf: {  	[dreg:$0x2] =	wrdreg s18  }
0xb0: {  	[dreg:$0x3] =	wrdreg s2  }
0xb1: {  	[dreg:$0x4] =	wrdreg s24  }
0xb2: {  	[dreg:$0x5] =	wrdreg $0x0  }
0xb3: {  	[dreg:$0x6] =	wrdreg $0x9  }
0xb4: {  	_ =	task.clear_ibuf [dreg:s8], $0x7FFFF;
	_ =	strace $0x90000046  }
0xb5: {  	s29 =	simm.s32 $0x9;
	_ =	strace $0x80000048  }
0xb6: {  	_ =	swait.ge [sflag:s29], $0x1  }
0xb7: {  	[sflag:s29] =	ssyncadd.s32 $0xFFFFFFFF  }
0xb8: {  	_ =	strace $0x90000048  }
0xb9: {  	_ =	sfence  }
0xba: {  	s30 =	sld [smem:$0x0];
	_ =	sdelay $0x2  }
0xbb: {  	s31 =	sshll.u32 s1, $0xD;
	s1 =	sshrl.u32 s1, $0x2  }
0xbc: {  	s3 =	sand.u32 $0x4000, s31;
	s1 =	sadd.s32 s1, s30  }
0xbd: {  	s0 =	sor.u32 s3, s0;
	s1 =	sshll.u32 s1, $0x11  }
0xbe: {  	s0 =	sor.u32 s1, s0  }
0xbf: {  	s0 =	sadd.s32 $0x8F2B, s0  }
0xc0: {  	[sflag:s0] =	ssyncadd.remote.s32 $0x1  }
0xc1: {  	_ =	sfence.sel $0xFFFF  }
0xc2: {  	[dreg:$0x0] =	wrdreg $0xFFFFFFFF;
	(pc) =	sbr.abs _section_cstart, $3  }
0xc3: {  	[dreg:$0x1] =	wrdreg $0xFFFFFFFF  }
0xc4: {  	_ =	task.clear_ibuf [dreg:s8], $0x2FFFF;
	_ =	strace $0x9FFFFFFF  }
0xc5: {  	(tm) =	ssettm $0x7FFFFFFF  }
tec
execute0_lowered:
.L_overlay_start_1:
0x0: {  	(tag) =	ssettag $0x1  }
0x1: {  	s1 =	rddreg [dreg:$0x0]  }
0x2: {  	s2 =	rddreg [dreg:$0x1]  }
0x3: {  	s0 =	rddreg [dreg:$0x2]  }
0x4: {  	s3 =	srdreg.scid;
	s13 =	stileid.u32  }
0x5: {  	s4 =	rddreg [dreg:$0x3];
	s5 =	simm.s32 $0x0;
	s20 =	smul.u32 $0x7D000, s13  }
0x6: {  	s31 =	simm.s32 $0x1E400;
	s3 =	sand.u32 $0x1, s3;
	s21 =	smul.u32 $0x5000, s13  }
0x7: {  	[smem:$0x7FF] =	sst s5;
	s19 =	sshll.u32 s13, $0x5;
	s23 =	smul.u32 $0x2700, s13  }
0x8: {  	s12 =	smul.u32 $0x3E80, s13;
	s16 =	sor.u32 $0xF0, s13;
	p2 =	sgt.u32 s13, $0x9  }
0x9: {  	s6 =	sshll.u32 s3, $0x4;
	s7 =	smul.u32 $0x27100, s3;
	_ =	strace $0x80000047  }
0xa: {  	s9 =	ssub.s32 $0x2, s3;
	s3 =	smul.u32 $0x27000, s3;
	s6 =	sor.u32 s13, s6  }
0xb: {  	p0 =	sgt.u32 s16, $0xF9;
	s18 =	sshrl.u32 s9, $0x1;
	s8 =	smul.u32 $0x4E2, s6  }
0xc: {  	s22 =	sshrl.u32 s20, $0x2;
	s13 =	simm.s32 $0x1BC80;
	s10 =	smul.u32 $0x9C0, s6  }
0xd: {  	s7 =	sadd.s32 s7, s0;
	s25 =	sadd.s32 s23, s3;
	p1 =	sgt.u32 s6, $0x3  }
0xe: {  	s6 =	simm.s32 $0x3;
	s7 =	sadd.s32 $0xB400, s7;
	s29 =	sadd.s32 $0x280, s25  }
0xf: {  	s0 =	sadd.s32 s8, s0;
	s8 =	ssub.s32 s9, s18;
	s10 =	sadd.s32 s1, s10  }
0x10: {  	s9 =	sadd.s32 s19, s1;
	s19 =	simm.s32 $0x13B00;
	[dreg:$0x9] =	wrdreg s10  }
0x11: {  	s14 =	sshrl.u32 s25, $0x2;
	s23 =	sadd.s32 s12, s7;
	[dreg:$0x8] =	wrdreg s19  }
0x12: {  	s3 =	sshrl.u32 s29, $0x2;
	s10 =	sadd.s32 $0x20, s10;
	[dreg:$0x17] =	wrdreg s23  }
0x13: {  	s18 =	smul.u32 $0x5000, s16;
	s9 =	sadd.s32 $0x13800, s9;
	[dreg:$0xa] =	wrdreg s10  }
0x14: {  	s7 =	simm.s32 $0x80;
	s0 =	sadd.s32 $0x1600, s0;
	[dreg:$0xb] =	wrdreg s9  }
0x15: {  	s12 =	simm.s32 $0x13C80;
	s8 =	smax.u32 s8, $0x1;
	[dreg:$0xc] =	wrdreg s0  }
0x16: {  	s3 =	sadd.s32 s3, s1;
	[dreg:$0xd] =	wrdreg s8;
	s8 =	sadd.s32 s1, s14  }
0x17: {  	s0 =	sshrl.u32 s21, $0x2;
	[dreg:$0x5] =	wrdreg s3;
	s17 =	sadd.s32 $0x60, s8  }
0x18: {  	s3 =	sshrl.u32 s18, $0x2;
	s8 =	sadd.s32 $0x40, s8;
	[dreg:$0x6] =	wrdreg s17  }
0x19: {  	s11 =	sadd.s32 s0, s4;
	s3 =	sadd.s32 s3, s4;
	[dreg:$0x7] =	wrdreg s8  }
0x1a: {  	s16 =	simm.s32 $0x4;
	s0 =	sadd.s32 $0x14000, s11;
	[dreg:$0x19] =	wrdreg s3  }
0x1b: {  	s19 =	simm.s32 $0x7;
	s24 =	sadd.s32 $0x28000, s11;
	[dreg:$0xe] =	wrdreg s0  }
0x1c: {  	s9 =	sadd.s32 s22, s4;
	s26 =	sadd.s32 $0x3C000, s11;
	[dreg:$0xf] =	wrdreg s24  }
0x1d: {  	s14 =	simm.s32 $0x13B80;
	s28 =	sadd.s32 $0x50000, s11;
	[dreg:$0x10] =	wrdreg s26  }
0x1e: {  	s18 =	simm.s32 $0x6;
	s10 =	sadd.s32 $0x64000, s11;
	[dreg:$0x11] =	wrdreg s28  }
0x1f: {  	s15 =	sadd.s32 $0x78000, s11;
	s20 =	sadd.s32 $0x8C000, s11;
	[dreg:$0x12] =	wrdreg s10  }
0x20: {  	s21 =	sadd.s32 $0xA0000, s11;
	s22 =	sadd.s32 $0xB4000, s11;
	[dreg:$0x13] =	wrdreg s15  }
0x21: {  	s29 =	sadd.s32 $0x104000, s11;
	s30 =	sadd.s32 $0x118000, s11;
	[dreg:$0x14] =	wrdreg s20  }
0x22: {  	s3 =	simm.s32 $0x13880;
	s8 =	simm.s32 $0x13980;
	[dreg:$0x15] =	wrdreg s21  }
0x23: {  	s17 =	simm.s32 $0x13A00;
	[dreg:$0x16] =	wrdreg s22;
	s24 =	sadd.s32 $0xC8000, s11  }
0x24: {  	s0 =	sadd.s32 $0x200, s25;
	s25 =	sshrl.u32 s9, $0x3;
	[dreg:$0x1e] =	wrdreg s29  }
.Ltmp0:
0x25: {  	s26 =	sadd.s32 $0xDC000, s11;
	[dreg:$0x18] =	wrdreg s24;
	(pc) =	sbr.rel .LBB2_1-.Ltmp0, $4  }
0x26: {  	s28 =	sadd.s32 $0xF0000, s11;
	s21 =	simm.s32 $0x13A80;
	[dreg:$0x1a] =	wrdreg s0  }
0x27: {  	s9 =	simm.s32 $0x17C80;
	s10 =	simm.s32 $0x13900;
	[dreg:$0x1b] =	wrdreg s25  }
0x28: {  	s15 =	simm.s32 $0x5;
	s20 =	simm.s32 $0x0;
	[dreg:$0x1c] =	wrdreg s26  }
0x29: {  	v0 =	vimm.f32 $0.0e+00;
	v1 =	vimm.f32 $1.000000000e+00;
	[dreg:$0x1d] =	wrdreg s28;
	s0 =	simm.s32 $0x1;
	s25 =	simm.s32 $0x2  }
.LBB2_11:
0x2a: {  	s22 =	rddreg [dreg:$0xc]  }
0x2b: {  	[hbm4b:s22+s5] =	stream.linear.scatter [tilespmem:s13], [sflag:$0x4], $0x2710, $0x38;
	[tilespmem:$0x1F800] =	vst v63  }
0x2c: {  	_ =	swait.ge [sflag:s16], $0x2710  }
0x2d: {  	[sflag:s16] =	ssyncset.done $0x0  }
0x2e: {  	[sflag:s16] =	ssyncadd.s32 $0xFFFFD8F0  }
.LBB2_12:
0x2f: {  	s20 =	sadd.s32 $0x1, s20;
	s22 =	rddreg [dreg:$0xd]  }
0x30: {  	p3 =	sne.s32 s20, s22  }
.Ltmp1:
0x31: {  	_ = 	snop;
	(pc) =	sbr.rel @!p3 .LBB2_13-.Ltmp1, $1  }
0x32: {  	_ =	sdelay $0x3  }
.LBB2_1:
0x33: {  	s22 =	simm.s32 $0x70;
	s24 =	simm.s32 $0x3C0  }
.LBB2_2:
0x34: {  	p3 =	sne.s32 s24, $0x4FC0;
	[tilespmem:s22+$0x1E400] =	vst v0  }
0x35: {  	[tilespmem:s22+$0x1E390] =	vst v0  }
0x36: {  	[tilespmem:s22+$0x1E3A0] =	vst v0  }
.Ltmp2:
0x37: {  	[tilespmem:s22+$0x1E3B0] =	vst v0;
	(pc) =	sbr.rel @p3 .LBB2_2-.Ltmp2, $4  }
0x38: {  	[tilespmem:s22+$0x1E3C0] =	vst v0  }
0x39: {  	[tilespmem:s22+$0x1E3D0] =	vst v0  }
0x3a: {  	[tilespmem:s22+$0x1E3E0] =	vst v0  }
0x3b: {  	[tilespmem:s22+$0x1E3F0] =	vst v0;
	s22 =	sshra.s32 s24, $0x2;
	s24 =	sadd.s32 $0x200, s24  }
0x3c: {  	[tilespmem:s22+$0x1E400] =	vst v0  }
0x3d: {  	[tilespmem:s22+$0x1E390] =	vst v0  }
0x3e: {  	[tilespmem:s22+$0x1E3A0] =	vst v0  }
0x3f: {  	[tilespmem:s22+$0x1E3B0] =	vst v0  }
0x40: {  	[tilespmem:s22+$0x1E3C0] =	vst v0  }
0x41: {  	[tilespmem:s22+$0x1E3D0] =	vst v0  }
0x42: {  	[tilespmem:s22+$0x1E3E0] =	vst v0  }
0x43: {  	[tilespmem:s22+$0x1E3F0] =	vst v0  }
0x44: {  	[spmem:s11] =	stream.linear.scatter [tilespmem:s31], [sflag:$0x1], $0x1400, $0x38;
	[tilespmem:$0x1F800] =	vst v63  }
0x45: {  	s26 =	rddreg [dreg:$0xe]  }
0x46: {  	[spmem:s26] =	stream.linear.scatter [tilespmem:s31], [sflag:$0x1], $0x1400, $0x38;
	[tilespmem:$0x1F800] =	vst v63  }
0x47: {  	s28 =	rddreg [dreg:$0xf]  }
0x48: {  	[spmem:s28] =	stream.linear.scatter [tilespmem:s31], [sflag:$0x1], $0x1400, $0x38;
	[tilespmem:$0x1F800] =	vst v63  }
0x49: {  	s29 =	rddreg [dreg:$0x10]  }
0x4a: {  	[spmem:s29] =	stream.linear.scatter [tilespmem:s31], [sflag:$0x1], $0x1400, $0x38;
	[tilespmem:$0x1F800] =	vst v63  }
0x4b: {  	s23 =	rddreg [dreg:$0x11]  }
0x4c: {  	[spmem:s23] =	stream.linear.scatter [tilespmem:s31], [sflag:$0x1], $0x1400, $0x38;
	[tilespmem:$0x1F800] =	vst v63  }
0x4d: {  	s24 =	rddreg [dreg:$0x12]  }
0x4e: {  	[spmem:s24] =	stream.linear.scatter [tilespmem:s31], [sflag:$0x1], $0x1400, $0x38;
	[tilespmem:$0x1F800] =	vst v63  }
0x4f: {  	s26 =	rddreg [dreg:$0x13]  }
0x50: {  	[spmem:s26] =	stream.linear.scatter [tilespmem:s31], [sflag:$0x1], $0x1400, $0x38;
	[tilespmem:$0x1F800] =	vst v63  }
0x51: {  	s28 =	rddreg [dreg:$0x14]  }
0x52: {  	[spmem:s28] =	stream.linear.scatter [tilespmem:s31], [sflag:$0x1], $0x1400, $0x38;
	[tilespmem:$0x1F800] =	vst v63  }
0x53: {  	s29 =	rddreg [dreg:$0x15]  }
0x54: {  	[spmem:s29] =	stream.linear.scatter [tilespmem:s31], [sflag:$0x1], $0x1400, $0x38;
	[tilespmem:$0x1F800] =	vst v63  }
0x55: {  	s23 =	rddreg [dreg:$0x16]  }
0x56: {  	[spmem:s23] =	stream.linear.scatter [tilespmem:s31], [sflag:$0x1], $0x1400, $0x38;
	[tilespmem:$0x1F800] =	vst v63  }
0x57: {  	s24 =	rddreg [dreg:$0x18]  }
0x58: {  	[spmem:s24] =	stream.linear.scatter [tilespmem:s31], [sflag:$0x1], $0x1400, $0x38;
	[tilespmem:$0x1F800] =	vst v63  }
0x59: {  	s26 =	rddreg [dreg:$0x1c]  }
0x5a: {  	[spmem:s26] =	stream.linear.scatter [tilespmem:s31], [sflag:$0x1], $0x1400, $0x38;
	[tilespmem:$0x1F800] =	vst v63  }
0x5b: {  	s28 =	rddreg [dreg:$0x1d]  }
0x5c: {  	[spmem:s28] =	stream.linear.scatter [tilespmem:s31], [sflag:$0x1], $0x1400, $0x38;
	[tilespmem:$0x1F800] =	vst v63  }
0x5d: {  	s29 =	rddreg [dreg:$0x1e]  }
0x5e: {  	[spmem:s29] =	stream.linear.scatter [tilespmem:s31], [sflag:$0x1], $0x1400, $0x38;
	[tilespmem:$0x1F800] =	vst v63  }
0x5f: {  	_ = 	snop  }
0x60: {  	[spmem:s30] =	stream.linear.scatter [tilespmem:s31], [sflag:$0x1], $0x1400, $0x38;
	[tilespmem:$0x1F800] =	vst v63  }
0x61: {  	s22 =	simm.s32 @!p0 $0x1E400;
	s23 =	rddreg [dreg:$0x19]  }
0x62: {  	[spmem:s23] =	stream.linear.scatter @!p0 [tilespmem:s22], [sflag:$0x1], $0x1400, $0x38;
	[tilespmem:$0x1F800] =	vst v63  }
0x63: {  	s24 =	simm.s32 $0x0;
	s22 =	simm.s32 $0x40  }
.LBB2_4:
0x64: {  	p3 =	sne.s32 s22, $0x9C00;
	[tilespmem:s24+$0x1BC80] =	vst v0;
	s24 =	smov.u32 s22;
	s22 =	sadd.s32 $0x40, s22  }
.Ltmp3:
0x65: {  	(pc) =	sbr.rel @p3 .LBB2_4-.Ltmp3, $2  }
0x66: {  	_ =	sdelay $0x2  }
0x67: {  	s24 =	sshra.s32 s24, $0x2  }
0x68: {  	[tilespmem:s24+$0x1BC80] =	vst v0  }
0x69: {  	_ =	swait.ge [sflag:s0], $0x1400  }
0x6a: {  	[sflag:s0] =	ssyncset.done $0x0  }
0x6b: {  	[sflag:s0] =	ssyncadd.s32 $0xFFFFEC00  }
0x6c: {  	_ =	swait.ge [sflag:s0], $0x1400  }
0x6d: {  	[sflag:s0] =	ssyncset.done $0x0  }
0x6e: {  	[sflag:s0] =	ssyncadd.s32 $0xFFFFEC00  }
0x6f: {  	_ =	swait.ge [sflag:s0], $0x1400  }
0x70: {  	[sflag:s0] =	ssyncset.done $0x0  }
0x71: {  	[sflag:s0] =	ssyncadd.s32 $0xFFFFEC00  }
0x72: {  	_ =	swait.ge [sflag:s0], $0x1400  }
0x73: {  	[sflag:s0] =	ssyncset.done $0x0  }
0x74: {  	[sflag:s0] =	ssyncadd.s32 $0xFFFFEC00  }
0x75: {  	_ =	swait.ge [sflag:s0], $0x1400  }
0x76: {  	[sflag:s0] =	ssyncset.done $0x0  }
0x77: {  	[sflag:s0] =	ssyncadd.s32 $0xFFFFEC00  }
0x78: {  	_ =	swait.ge [sflag:s0], $0x1400  }
0x79: {  	[sflag:s0] =	ssyncset.done $0x0  }
0x7a: {  	[sflag:s0] =	ssyncadd.s32 $0xFFFFEC00  }
0x7b: {  	_ =	swait.ge [sflag:s0], $0x1400  }
0x7c: {  	[sflag:s0] =	ssyncset.done $0x0  }
0x7d: {  	[sflag:s0] =	ssyncadd.s32 $0xFFFFEC00  }
0x7e: {  	_ =	swait.ge [sflag:s0], $0x1400  }
0x7f: {  	[sflag:s0] =	ssyncset.done $0x0  }
0x80: {  	[sflag:s0] =	ssyncadd.s32 $0xFFFFEC00  }
0x81: {  	_ =	swait.ge [sflag:s0], $0x1400  }
0x82: {  	[sflag:s0] =	ssyncset.done $0x0  }
0x83: {  	[sflag:s0] =	ssyncadd.s32 $0xFFFFEC00  }
0x84: {  	_ =	swait.ge [sflag:s0], $0x1400  }
0x85: {  	[sflag:s0] =	ssyncset.done $0x0  }
0x86: {  	[sflag:s0] =	ssyncadd.s32 $0xFFFFEC00  }
0x87: {  	_ =	swait.ge [sflag:s0], $0x1400  }
0x88: {  	[sflag:s0] =	ssyncset.done $0x0  }
0x89: {  	[sflag:s0] =	ssyncadd.s32 $0xFFFFEC00  }
0x8a: {  	_ =	swait.ge [sflag:s0], $0x1400  }
0x8b: {  	[sflag:s0] =	ssyncset.done $0x0  }
0x8c: {  	[sflag:s0] =	ssyncadd.s32 $0xFFFFEC00  }
0x8d: {  	_ =	swait.ge [sflag:s0], $0x1400  }
0x8e: {  	[sflag:s0] =	ssyncset.done $0x0  }
0x8f: {  	[sflag:s0] =	ssyncadd.s32 $0xFFFFEC00  }
0x90: {  	_ =	swait.ge [sflag:s0], $0x1400  }
0x91: {  	[sflag:s0] =	ssyncset.done $0x0  }
0x92: {  	[sflag:s0] =	ssyncadd.s32 $0xFFFFEC00  }
0x93: {  	_ =	swait.ge [sflag:s0], $0x1400  }
0x94: {  	[sflag:s0] =	ssyncset.done $0x0  }
0x95: {  	s22 =	simm.s32 @!p2 $0x1;
	[sflag:s0] =	ssyncadd.s32 $0xFFFFEC00  }
0x96: {  	_ =	swait.ge @!p2 [sflag:s22], $0x1400  }
0x97: {  	[sflag:s22] =	ssyncset.done @!p2 $0x0  }
0x98: {  	[sflag:s22] =	ssyncadd.s32 @!p2 $0xFFFFEC00  }
0x99: {  	[bflag:$0x0] =	sbarrier.arrive $0xFFFF  }
0x9a: {  	s23 =	rddreg [dreg:$0x9]  }
0x9b: {  	s22 =	simm.s32 $0x0;
	s29 =	rddreg [dreg:$0xa]  }
0x9c: {  	[tilespmem:s3], [sflag:$0x1] =	stream.linear.gather [hbm4b:s23+s22], $0x100, $0x38;
	[tilespmem:$0x1F800] =	vst v63  }
0x9d: {  	s24 =	rddreg [dreg:$0x1a]  }
0x9e: {  	[tilespmem:s8], [sflag:$0x2] =	stream.linear.gather [hbm4b:s29+s22], $0x100, $0x38;
	[tilespmem:$0x1F800] =	vst v63  }
.LBB2_6:
0x9f: {  	_ =	swait.ge [sflag:s0], $0x100  }
0xa0: {  	p3 =	sne.s32 s22, $0x0;
	[sflag:s0] =	ssyncset.done $0x0  }
0xa1: {  	s26 =	simm.s32 @p3 $0x5;
	[sflag:s0] =	ssyncadd.s32 $0xFFFFFF00  }
0xa2: {  	_ =	swait.ge @p3 [sflag:s26], $0x4000  }
0xa3: {  	s28 =	simm.s32 @p3 $0x13880;
	[sflag:s26] =	ssyncset.done @p3 $0x0  }
0xa4: {  	s23 =	simm.s32 @p3 $0x13C80;
	[sflag:s26] =	ssyncadd.s32 @p3 $0xFFFFC000;
	s26 =	simm.s32 @p3 $0x80  }
0xa5: {  	[tilespmem:s23], [sflag:$0x3] =	stream.indirect.gather @p3 [hbm4b:s2+s26], $0x80, s28, s26, $0xb8;
	[tilespmem:$0x1F800] =	vst v63  }
0xa6: {  	s23 =	simm.s32 @p3 $0x4  }
0xa7: {  	_ =	swait.ge @p3 [sflag:s23], $0x4000  }
0xa8: {  	[sflag:s23] =	ssyncset.done @p3 $0x0  }
0xa9: {  	s28 =	simm.s32 @p3 $0x17C80;
	[sflag:s23] =	ssyncadd.s32 @p3 $0xFFFFC000;
	s23 =	simm.s32 @p3 $0x13C00  }
0xaa: {  	[spmem:s4] =	stream.indirect.scatter.add.f32 @p3 [tilespmem:s28], [sflag:$0x6], $0x80, s23, s26, $0xb8;
	[tilespmem:$0x1F800] =	vst v63  }
0xab: {  	v2 =	vld @p3 [tilespmem:$0x13C00];
	_ =	sdelay $0x6  }
0xac: {  	v3 =	vimm.f32 @p3 $1.000000000e+00;
	s23 =	simm.s32 @p3 $0x1BC80  }
0xad: {  	[tilespmem:v2+s23+$0x0] =	vst.idx.add.f32.msk @p3 $0xffff, v3  }
0xae: {  	v2 =	vld @p3 [tilespmem:$0x13C10];
	_ =	sdelay $0x7  }
0xaf: {  	[tilespmem:v2+s23+$0x0] =	vst.idx.add.f32.msk @p3 $0xffff, v3  }
0xb0: {  	v2 =	vld @p3 [tilespmem:$0x13C20];
	_ =	sdelay $0x7  }
0xb1: {  	[tilespmem:v2+s23+$0x0] =	vst.idx.add.f32.msk @p3 $0xffff, v3  }
0xb2: {  	v2 =	vld @p3 [tilespmem:$0x13C30];
	_ =	sdelay $0x7  }
0xb3: {  	[tilespmem:v2+s23+$0x0] =	vst.idx.add.f32.msk @p3 $0xffff, v3  }
0xb4: {  	v2 =	vld @p3 [tilespmem:$0x13C40];
	_ =	sdelay $0x7  }
0xb5: {  	[tilespmem:v2+s23+$0x0] =	vst.idx.add.f32.msk @p3 $0xffff, v3  }
0xb6: {  	v2 =	vld @p3 [tilespmem:$0x13C50];
	_ =	sdelay $0x7  }
0xb7: {  	[tilespmem:v2+s23+$0x0] =	vst.idx.add.f32.msk @p3 $0xffff, v3  }
0xb8: {  	v2 =	vld @p3 [tilespmem:$0x13C60];
	_ =	sdelay $0x7  }
0xb9: {  	[tilespmem:v2+s23+$0x0] =	vst.idx.add.f32.msk @p3 $0xffff, v3  }
0xba: {  	v2 =	vld @p3 [tilespmem:$0x13C70];
	_ =	sdelay $0x6  }
0xbb: {  	s29 =	simm.s32 @!p3 $0x13C80  }
0xbc: {  	s26 =	rddreg [dreg:$0x7];
	s28 =	simm.s32 @!p3 $0x13880;
	[tilespmem:v2+s23+$0x0] =	vst.idx.add.f32.msk @p3 $0xffff, v3;
	s23 =	simm.s32 @!p3 $0x80  }
0xbd: {  	[tilespmem:s29], [sflag:$0x3] =	stream.indirect.gather @!p3 [hbm4b:s2+s23], $0x80, s28, s23, $0xb8;
	[tilespmem:$0x1F800] =	vst v63  }
0xbe: {  	s28 =	sadd.s32 s22, s26  }
0xbf: {  	[tilespmem:s21], [sflag:$0x1] =	stream.linear.gather [hbm4b:s28+s5], $0x100, $0x38;
	[tilespmem:$0x1F800] =	vst v63  }
0xc0: {  	_ =	swait.ge [sflag:s25], $0x100  }
0xc1: {  	p3 =	seq.s32 s22, $0x0;
	[sflag:s25] =	ssyncset.done $0x0  }
0xc2: {  	s23 =	simm.s32 @!p3 $0x6;
	[sflag:s25] =	ssyncadd.s32 $0xFFFFFF00  }
0xc3: {  	_ =	swait.ge @!p3 [sflag:s23], $0x4000  }
0xc4: {  	[sflag:s23] =	ssyncset.done @!p3 $0x0  }
0xc5: {  	[sflag:s23] =	ssyncadd.s32 @!p3 $0xFFFFC000  }
0xc6: {  	[tilespmem:s9], [sflag:$0x4] =	stream.indirect.gather [hbm4b:s2+s7], $0x80, s8, s7, $0xb8;
	[tilespmem:$0x1F800] =	vst v63  }
0xc7: {  	_ =	swait.ge [sflag:s6], $0x4000  }
0xc8: {  	[sflag:s6] =	ssyncset.done $0x0  }
0xc9: {  	[sflag:s6] =	ssyncadd.s32 $0xFFFFC000  }
0xca: {  	[spmem:s4] =	stream.indirect.scatter.add.f32 [tilespmem:s12], [sflag:$0x5], $0x80, s10, s7, $0xb8;
	[tilespmem:$0x1F800] =	vst v63  }
0xcb: {  	v2 =	vld [tilespmem:$0x13900];
	_ =	sdelay $0x7  }
0xcc: {  	[tilespmem:v2+s13+$0x0] =	vst.idx.add.f32.msk $0xffff, v1  }
0xcd: {  	v2 =	vld [tilespmem:$0x13910];
	_ =	sdelay $0x7  }
0xce: {  	[tilespmem:v2+s13+$0x0] =	vst.idx.add.f32.msk $0xffff, v1  }
0xcf: {  	v2 =	vld [tilespmem:$0x13920];
	_ =	sdelay $0x7  }
0xd0: {  	[tilespmem:v2+s13+$0x0] =	vst.idx.add.f32.msk $0xffff, v1  }
0xd1: {  	v2 =	vld [tilespmem:$0x13930];
	_ =	sdelay $0x7  }
0xd2: {  	[tilespmem:v2+s13+$0x0] =	vst.idx.add.f32.msk $0xffff, v1  }
0xd3: {  	v2 =	vld [tilespmem:$0x13940];
	_ =	sdelay $0x7  }
0xd4: {  	[tilespmem:v2+s13+$0x0] =	vst.idx.add.f32.msk $0xffff, v1  }
0xd5: {  	v2 =	vld [tilespmem:$0x13950];
	_ =	sdelay $0x7  }
0xd6: {  	[tilespmem:v2+s13+$0x0] =	vst.idx.add.f32.msk $0xffff, v1  }
0xd7: {  	v2 =	vld [tilespmem:$0x13960];
	_ =	sdelay $0x7  }
0xd8: {  	[tilespmem:v2+s13+$0x0] =	vst.idx.add.f32.msk $0xffff, v1  }
0xd9: {  	v2 =	vld [tilespmem:$0x13970];
	_ =	sdelay $0x6  }
0xda: {  	s29 =	rddreg [dreg:$0x6]  }
0xdb: {  	s23 =	sadd.s32 s22, s29;
	[tilespmem:v2+s13+$0x0] =	vst.idx.add.f32.msk $0xffff, v1  }
0xdc: {  	[tilespmem:s14], [sflag:$0x2] =	stream.linear.gather [hbm4b:s23+s5], $0x100, $0x38;
	[tilespmem:$0x1F800] =	vst v63  }
0xdd: {  	_ =	swait.ge [sflag:s0], $0x100  }
0xde: {  	[sflag:s0] =	ssyncset.done $0x0  }
0xdf: {  	[sflag:s0] =	ssyncadd.s32 $0xFFFFFF00  }
0xe0: {  	_ =	swait.ge [sflag:s15], $0x4000  }
0xe1: {  	[sflag:s15] =	ssyncset.done $0x0  }
0xe2: {  	[sflag:s15] =	ssyncadd.s32 $0xFFFFC000  }
0xe3: {  	[tilespmem:s12], [sflag:$0x3] =	stream.indirect.gather [hbm4b:s2+s7], $0x80, s21, s7, $0xb8;
	[tilespmem:$0x1F800] =	vst v63  }
0xe4: {  	_ =	swait.ge [sflag:s16], $0x4000  }
0xe5: {  	[sflag:s16] =	ssyncset.done $0x0  }
0xe6: {  	[sflag:s16] =	ssyncadd.s32 $0xFFFFC000  }
0xe7: {  	[spmem:s4] =	stream.indirect.scatter.add.f32 [tilespmem:s9], [sflag:$0x6], $0x80, s17, s7, $0xb8;
	[tilespmem:$0x1F800] =	vst v63  }
0xe8: {  	v2 =	vld [tilespmem:$0x13A00];
	_ =	sdelay $0x7  }
0xe9: {  	[tilespmem:v2+s13+$0x0] =	vst.idx.add.f32.msk $0xffff, v1  }
0xea: {  	v2 =	vld [tilespmem:$0x13A10];
	_ =	sdelay $0x7  }
0xeb: {  	[tilespmem:v2+s13+$0x0] =	vst.idx.add.f32.msk $0xffff, v1  }
0xec: {  	v2 =	vld [tilespmem:$0x13A20];
	_ =	sdelay $0x7  }
0xed: {  	[tilespmem:v2+s13+$0x0] =	vst.idx.add.f32.msk $0xffff, v1  }
0xee: {  	v2 =	vld [tilespmem:$0x13A30];
	_ =	sdelay $0x7  }
0xef: {  	[tilespmem:v2+s13+$0x0] =	vst.idx.add.f32.msk $0xffff, v1  }
0xf0: {  	v2 =	vld [tilespmem:$0x13A40];
	_ =	sdelay $0x7  }
0xf1: {  	[tilespmem:v2+s13+$0x0] =	vst.idx.add.f32.msk $0xffff, v1  }
0xf2: {  	v2 =	vld [tilespmem:$0x13A50];
	_ =	sdelay $0x7  }
0xf3: {  	[tilespmem:v2+s13+$0x0] =	vst.idx.add.f32.msk $0xffff, v1  }
0xf4: {  	v2 =	vld [tilespmem:$0x13A60];
	_ =	sdelay $0x7  }
0xf5: {  	[tilespmem:v2+s13+$0x0] =	vst.idx.add.f32.msk $0xffff, v1  }
0xf6: {  	v2 =	vld [tilespmem:$0x13A70];
	_ =	sdelay $0x6  }
0xf7: {  	s26 =	sshrl.u32 s24, $0x2  }
0xf8: {  	s23 =	sadd.s32 s1, s26;
	[tilespmem:v2+s13+$0x0] =	vst.idx.add.f32.msk $0xffff, v1  }
0xf9: {  	[tilespmem:s3], [sflag:$0x1] =	stream.linear.gather [hbm4b:s23+s5], $0x100, $0x38;
	[tilespmem:$0x1F800] =	vst v63  }
0xfa: {  	_ =	swait.ge [sflag:s25], $0x100  }
0xfb: {  	[sflag:s25] =	ssyncset.done $0x0  }
0xfc: {  	[sflag:s25] =	ssyncadd.s32 $0xFFFFFF00  }
0xfd: {  	_ =	swait.ge [sflag:s18], $0x4000  }
0xfe: {  	[sflag:s18] =	ssyncset.done $0x0  }
0xff: {  	[sflag:s18] =	ssyncadd.s32 $0xFFFFC000  }
0x100: {  	[tilespmem:s9], [sflag:$0x4] =	stream.indirect.gather [hbm4b:s2+s7], $0x80, s14, s7, $0xb8;
	[tilespmem:$0x1F800] =	vst v63  }
0x101: {  	_ =	swait.ge [sflag:s6], $0x4000  }
0x102: {  	[sflag:s6] =	ssyncset.done $0x0  }
0x103: {  	s28 =	rddreg [dreg:$0x8];
	[sflag:s6] =	ssyncadd.s32 $0xFFFFC000  }
0x104: {  	[spmem:s4] =	stream.indirect.scatter.add.f32 [tilespmem:s12], [sflag:$0x5], $0x80, s28, s7, $0xb8;
	[tilespmem:$0x1F800] =	vst v63  }
0x105: {  	v2 =	vld [tilespmem:$0x13B00];
	_ =	sdelay $0x7  }
0x106: {  	[tilespmem:v2+s13+$0x0] =	vst.idx.add.f32.msk $0xffff, v1  }
0x107: {  	v2 =	vld [tilespmem:$0x13B10];
	_ =	sdelay $0x7  }
0x108: {  	[tilespmem:v2+s13+$0x0] =	vst.idx.add.f32.msk $0xffff, v1  }
0x109: {  	v2 =	vld [tilespmem:$0x13B20];
	_ =	sdelay $0x7  }
0x10a: {  	[tilespmem:v2+s13+$0x0] =	vst.idx.add.f32.msk $0xffff, v1  }
0x10b: {  	v2 =	vld [tilespmem:$0x13B30];
	_ =	sdelay $0x7  }
0x10c: {  	[tilespmem:v2+s13+$0x0] =	vst.idx.add.f32.msk $0xffff, v1  }
0x10d: {  	v2 =	vld [tilespmem:$0x13B40];
	_ =	sdelay $0x7  }
0x10e: {  	[tilespmem:v2+s13+$0x0] =	vst.idx.add.f32.msk $0xffff, v1  }
0x10f: {  	v2 =	vld [tilespmem:$0x13B50];
	_ =	sdelay $0x7  }
0x110: {  	[tilespmem:v2+s13+$0x0] =	vst.idx.add.f32.msk $0xffff, v1  }
0x111: {  	v2 =	vld [tilespmem:$0x13B60];
	_ =	sdelay $0x7  }
0x112: {  	[tilespmem:v2+s13+$0x0] =	vst.idx.add.f32.msk $0xffff, v1  }
0x113: {  	v2 =	vld [tilespmem:$0x13B70];
	_ =	sdelay $0x1  }
0x114: {  	s29 =	rddreg [dreg:$0x5]  }
0x115: {  	s23 =	sadd.s32 s22, s29;
	s22 =	sadd.s32 $0x80, s22  }
0x116: {  	p3 =	sne.s32 s22, $0x980  }
.Ltmp4:
0x117: {  	_ = 	snop;
	(pc) =	sbr.rel @p3 .LBB2_6-.Ltmp4, $3  }
0x118: {  	_ =	sdelay $0x1  }
0x119: {  	s24 =	sadd.s32 $0x200, s24;
	[tilespmem:v2+s13+$0x0] =	vst.idx.add.f32.msk $0xffff, v1  }
0x11a: {  	[tilespmem:s8], [sflag:$0x2] =	stream.linear.gather [hbm4b:s23+s5], $0x100, $0x38;
	[tilespmem:$0x1F800] =	vst v63  }
0x11b: {  	_ =	swait.ge [sflag:s0], $0x100  }
0x11c: {  	[sflag:s0] =	ssyncset.done $0x0  }
0x11d: {  	[sflag:s0] =	ssyncadd.s32 $0xFFFFFF00  }
0x11e: {  	_ =	swait.ge [sflag:s15], $0x4000  }
0x11f: {  	[sflag:s15] =	ssyncset.done $0x0  }
0x120: {  	[sflag:s15] =	ssyncadd.s32 $0xFFFFC000  }
0x121: {  	[tilespmem:s12], [sflag:$0x3] =	stream.indirect.gather [hbm4b:s2+s7], $0x80, s3, s7, $0xb8;
	[tilespmem:$0x1F800] =	vst v63  }
0x122: {  	_ =	swait.ge [sflag:s16], $0x4000  }
0x123: {  	[sflag:s16] =	ssyncset.done $0x0  }
0x124: {  	s22 =	simm.s32 $0x13C00;
	[sflag:s16] =	ssyncadd.s32 $0xFFFFC000  }
0x125: {  	[spmem:s4] =	stream.indirect.scatter.add.f32 [tilespmem:s9], [sflag:$0x6], $0x80, s22, s7, $0xb8;
	[tilespmem:$0x1F800] =	vst v63  }
0x126: {  	v2 =	vld [tilespmem:$0x13C00];
	_ =	sdelay $0x7  }
0x127: {  	[tilespmem:v2+s13+$0x0] =	vst.idx.add.f32.msk $0xffff, v1  }
0x128: {  	v2 =	vld [tilespmem:$0x13C10];
	_ =	sdelay $0x7  }
0x129: {  	[tilespmem:v2+s13+$0x0] =	vst.idx.add.f32.msk $0xffff, v1  }
0x12a: {  	v2 =	vld [tilespmem:$0x13C20];
	_ =	sdelay $0x7  }
0x12b: {  	[tilespmem:v2+s13+$0x0] =	vst.idx.add.f32.msk $0xffff, v1  }
0x12c: {  	v2 =	vld [tilespmem:$0x13C30];
	_ =	sdelay $0x7  }
0x12d: {  	[tilespmem:v2+s13+$0x0] =	vst.idx.add.f32.msk $0xffff, v1  }
0x12e: {  	v2 =	vld [tilespmem:$0x13C40];
	_ =	sdelay $0x7  }
0x12f: {  	[tilespmem:v2+s13+$0x0] =	vst.idx.add.f32.msk $0xffff, v1  }
0x130: {  	v2 =	vld [tilespmem:$0x13C50];
	_ =	sdelay $0x7  }
0x131: {  	[tilespmem:v2+s13+$0x0] =	vst.idx.add.f32.msk $0xffff, v1  }
0x132: {  	v2 =	vld [tilespmem:$0x13C60];
	_ =	sdelay $0x7  }
0x133: {  	[tilespmem:v2+s13+$0x0] =	vst.idx.add.f32.msk $0xffff, v1  }
0x134: {  	v2 =	vld [tilespmem:$0x13C70];
	_ =	sdelay $0x7  }
0x135: {  	[tilespmem:v2+s13+$0x0] =	vst.idx.add.f32.msk $0xffff, v1  }
0x136: {  	_ =	swait.ge [sflag:s25], $0x100  }
0x137: {  	[sflag:s25] =	ssyncset.done $0x0  }
0x138: {  	[sflag:s25] =	ssyncadd.s32 $0xFFFFFF00  }
0x139: {  	_ =	swait.ge [sflag:s18], $0x4000  }
0x13a: {  	[sflag:s18] =	ssyncset.done $0x0  }
0x13b: {  	[sflag:s18] =	ssyncadd.s32 $0xFFFFC000  }
0x13c: {  	[tilespmem:s9], [sflag:$0x4] =	stream.indirect.gather [hbm4b:s2+s7], $0x80, s8, s7, $0xb8;
	[tilespmem:$0x1F800] =	vst v63  }
0x13d: {  	_ =	swait.ge [sflag:s6], $0x4000  }
0x13e: {  	[sflag:s6] =	ssyncset.done $0x0  }
0x13f: {  	[sflag:s6] =	ssyncadd.s32 $0xFFFFC000  }
0x140: {  	[spmem:s4] =	stream.indirect.scatter.add.f32 [tilespmem:s12], [sflag:$0x5], $0x80, s10, s7, $0xb8;
	[tilespmem:$0x1F800] =	vst v63  }
0x141: {  	v2 =	vld [tilespmem:$0x13900];
	_ =	sdelay $0x7  }
0x142: {  	[tilespmem:v2+s13+$0x0] =	vst.idx.add.f32.msk $0xffff, v1  }
0x143: {  	v2 =	vld [tilespmem:$0x13910];
	_ =	sdelay $0x7  }
0x144: {  	[tilespmem:v2+s13+$0x0] =	vst.idx.add.f32.msk $0xffff, v1  }
0x145: {  	v2 =	vld [tilespmem:$0x13920];
	_ =	sdelay $0x7  }
0x146: {  	[tilespmem:v2+s13+$0x0] =	vst.idx.add.f32.msk $0xffff, v1  }
0x147: {  	v2 =	vld [tilespmem:$0x13930];
	_ =	sdelay $0x7  }
0x148: {  	[tilespmem:v2+s13+$0x0] =	vst.idx.add.f32.msk $0xffff, v1  }
0x149: {  	v2 =	vld [tilespmem:$0x13940];
	_ =	sdelay $0x7  }
0x14a: {  	[tilespmem:v2+s13+$0x0] =	vst.idx.add.f32.msk $0xffff, v1  }
0x14b: {  	v2 =	vld [tilespmem:$0x13950];
	_ =	sdelay $0x7  }
0x14c: {  	[tilespmem:v2+s13+$0x0] =	vst.idx.add.f32.msk $0xffff, v1  }
0x14d: {  	v2 =	vld [tilespmem:$0x13960];
	_ =	sdelay $0x7  }
0x14e: {  	[tilespmem:v2+s13+$0x0] =	vst.idx.add.f32.msk $0xffff, v1  }
0x14f: {  	v2 =	vld [tilespmem:$0x13970];
	_ =	sdelay $0x7  }
0x150: {  	[tilespmem:v2+s13+$0x0] =	vst.idx.add.f32.msk $0xffff, v1  }
0x151: {  	_ =	swait.ge [sflag:s16], $0x4000  }
0x152: {  	[sflag:s16] =	ssyncset.done $0x0  }
0x153: {  	[sflag:s16] =	ssyncadd.s32 $0xFFFFC000  }
0x154: {  	[spmem:s4] =	stream.indirect.scatter.add.f32 [tilespmem:s9], [sflag:$0x6], $0x80, s17, s7, $0xb8;
	[tilespmem:$0x1F800] =	vst v63  }
0x155: {  	v2 =	vld [tilespmem:$0x13A00];
	_ =	sdelay $0x7  }
0x156: {  	[tilespmem:v2+s13+$0x0] =	vst.idx.add.f32.msk $0xffff, v1  }
0x157: {  	v2 =	vld [tilespmem:$0x13A10];
	_ =	sdelay $0x7  }
0x158: {  	[tilespmem:v2+s13+$0x0] =	vst.idx.add.f32.msk $0xffff, v1  }
0x159: {  	v2 =	vld [tilespmem:$0x13A20];
	_ =	sdelay $0x7  }
0x15a: {  	[tilespmem:v2+s13+$0x0] =	vst.idx.add.f32.msk $0xffff, v1  }
0x15b: {  	v2 =	vld [tilespmem:$0x13A30];
	_ =	sdelay $0x7  }
0x15c: {  	[tilespmem:v2+s13+$0x0] =	vst.idx.add.f32.msk $0xffff, v1  }
0x15d: {  	v2 =	vld [tilespmem:$0x13A40];
	_ =	sdelay $0x7  }
0x15e: {  	[tilespmem:v2+s13+$0x0] =	vst.idx.add.f32.msk $0xffff, v1  }
0x15f: {  	v2 =	vld [tilespmem:$0x13A50];
	_ =	sdelay $0x7  }
0x160: {  	[tilespmem:v2+s13+$0x0] =	vst.idx.add.f32.msk $0xffff, v1  }
0x161: {  	v2 =	vld [tilespmem:$0x13A60];
	_ =	sdelay $0x7  }
0x162: {  	[tilespmem:v2+s13+$0x0] =	vst.idx.add.f32.msk $0xffff, v1  }
0x163: {  	v2 =	vld [tilespmem:$0x13A70];
	_ =	sdelay $0x7  }
0x164: {  	[tilespmem:v2+s13+$0x0] =	vst.idx.add.f32.msk $0xffff, v1  }
0x165: {  	_ =	swait.ge [sflag:s15], $0x4000  }
.Ltmp5:
0x166: {  	[sflag:s15] =	ssyncset.done $0x0;
	(pc) =	sbr.rel @p1 .LBB2_9-.Ltmp5, $4  }
0x167: {  	[sflag:s15] =	ssyncadd.s32 $0xFFFFC000  }
0x168: {  	_ =	swait.ge [sflag:s18], $0x4000  }
0x169: {  	[sflag:s18] =	ssyncset.done $0x0  }
0x16a: {  	[sflag:s18] =	ssyncadd.s32 $0xFFFFC000  }
0x16b: {  	s22 =	rddreg [dreg:$0xb]  }
0x16c: {  	[tilespmem:s3], [sflag:$0x7] =	stream.linear.gather [hbm4b:s22+s5], $0x100, $0x38;
	[tilespmem:$0x1F800] =	vst v63  }
0x16d: {  	_ =	swait.ge [sflag:s19], $0x100  }
0x16e: {  	[sflag:s19] =	ssyncset.done $0x0  }
0x16f: {  	[sflag:s19] =	ssyncadd.s32 $0xFFFFFF00  }
0x170: {  	[tilespmem:s12], [sflag:$0x3] =	stream.indirect.gather [hbm4b:s2+s7], $0x80, s3, s7, $0xb8;
	[tilespmem:$0x1F800] =	vst v63  }
0x171: {  	_ =	swait.ge [sflag:s6], $0x4000  }
0x172: {  	[sflag:s6] =	ssyncset.done $0x0  }
0x173: {  	[sflag:s6] =	ssyncadd.s32 $0xFFFFC000  }
0x174: {  	[spmem:s4] =	stream.indirect.scatter.add.f32 [tilespmem:s12], [sflag:$0x7], $0x80, s10, s7, $0xb8;
	[tilespmem:$0x1F800] =	vst v63  }
0x175: {  	_ =	swait.ge [sflag:s19], $0x4000  }
0x176: {  	[sflag:s19] =	ssyncset.done $0x0  }
0x177: {  	[sflag:s19] =	ssyncadd.s32 $0xFFFFC000  }
0x178: {  	v2 =	vld [tilespmem:$0x13900];
	_ =	sdelay $0x7  }
0x179: {  	[tilespmem:v2+s13+$0x0] =	vst.idx.add.f32.msk $0xffff, v1  }
0x17a: {  	v2 =	vld [tilespmem:$0x13910];
	_ =	sdelay $0x7  }
0x17b: {  	[tilespmem:v2+s13+$0x0] =	vst.idx.add.f32.msk $0xffff, v1  }
0x17c: {  	v2 =	vld [tilespmem:$0x13920];
	_ =	sdelay $0x7  }
0x17d: {  	[tilespmem:v2+s13+$0x0] =	vst.idx.add.f32.msk $0xffff, v1  }
0x17e: {  	v2 =	vld [tilespmem:$0x13930];
	_ =	sdelay $0x7  }
0x17f: {  	[tilespmem:v2+s13+$0x0] =	vst.idx.add.f32.msk $0xffff, v1  }
0x180: {  	v2 =	vld [tilespmem:$0x13940];
	_ =	sdelay $0x7  }
0x181: {  	[tilespmem:v2+s13+$0x0] =	vst.idx.add.f32.msk $0xffff, v1  }
0x182: {  	v2 =	vld [tilespmem:$0x13950];
	_ =	sdelay $0x7  }
0x183: {  	[tilespmem:v2+s13+$0x0] =	vst.idx.add.f32.msk $0xffff, v1  }
0x184: {  	v2 =	vld [tilespmem:$0x13960];
	_ =	sdelay $0x7  }
0x185: {  	[tilespmem:v2+s13+$0x0] =	vst.idx.add.f32.msk $0xffff, v1  }
0x186: {  	v2 =	vld [tilespmem:$0x13970];
	_ =	sdelay $0x5  }
.Ltmp6:
0x187: {  	_ = 	snop;
	(pc) =	sbr.rel .LBB2_10-.Ltmp6, $3  }
0x188: {  	_ = 	snop  }
0x189: {  	[tilespmem:v2+s13+$0x0] =	vst.idx.add.f32.msk $0xffff, v1  }
0x18a: {  	[bflag:$0x0] =	sbarrier.arrive $0xFFFF;
	_ =	sdelay $0x1  }
.LBB2_9:
.Ltmp7:
0x18b: {  	(pc) =	sbr.rel @p2 .LBB2_11-.Ltmp7, $2  }
0x18c: {  	_ =	sdelay $0x1  }
0x18d: {  	[bflag:$0x0] =	sbarrier.arrive $0xFFFF;
	_ =	sdelay $0x1  }
.LBB2_10:
0x18e: {  	s22 =	stileid.u32  }
0x18f: {  	s23 =	rddreg [dreg:$0x17];
	s22 =	sshll.u32 s22, $0x6  }
0x190: {  	s24 =	rddreg [dreg:$0x1b];
	s22 =	sor.u32 $0x1C03, s22  }
0x191: {  	[hbm:s23], [sflag:s22] =	dma.local [spmem:s24], $0x3E80  }
0x192: {  	s22 =	rddreg [dreg:$0xc]  }
0x193: {  	[hbm4b:s22+s5] =	stream.linear.scatter [tilespmem:s13], [sflag:$0x4], $0x2710, $0x38;
	[tilespmem:$0x1F800] =	vst v63  }
0x194: {  	_ =	swait.ge [sflag:s16], $0x2710  }
.Ltmp8:
0x195: {  	[sflag:s16] =	ssyncset.done $0x0;
	(pc) =	sbr.rel .LBB2_12-.Ltmp8, $4  }
0x196: {  	[sflag:s16] =	ssyncadd.s32 $0xFFFFD8F0  }
0x197: {  	_ =	swait.ge [sflag:s6], $0x3E80  }
0x198: {  	[sflag:s6] =	ssyncset.done $0x0  }
0x199: {  	[sflag:s6] =	ssyncadd.s32 $0xFFFFC180  }
.LBB2_13:
0x19a: {  	_ =	sfence.sel $0x180000  }
0x19b: {  	[bflag:$0x0] =	sbarrier.arrive $0xFFFF  }
0x19c: {  	_ =	strace $0x90000047  }
0x19d: {  	s0 =	stileid.u32;
	[bflag:$0x2] =	sbarrier.arrive $0xFFFF  }
0x19e: {  	p0 =	sne.s32 s0, $0x0;
	s0 =	rddreg [dreg:$0x4]  }
0x19f: {  	s0 =	sadd.s32 @!p0 $0x100000, s0  }
0x1a0: {  	[sflag:s0] =	ssyncadd.tile.s32 @!p0 $0x1;
	_ =	shalt  }
.Lfunc_end2:
_tile_overlayer_lowered:
.L_overlay_start_2:
0x1a1: {  	(tag) =	ssettag $0x2  }
0x1a2: {  	s0 =	rddreg [dreg:$0x0];
	s2 =	stileid.u32  }
0x1a3: {  	s1 =	rddreg [dreg:$0x1];
	p0 =	sne.s32 s2, $0x0  }
0x1a4: {  	s3 =	rddreg [dreg:$0x2];
	[bflag:$0x3] =	sbarrier.arrive $0xFFFF;
	s2 =	simm.s32 @!p0 $0x1C07  }
0x1a5: {  	[timem:s3], [sflag:s2] =	dma.local @!p0 [hbm:s0], s1  }
0x1a6: {  	s0 =	simm.s32 @!p0 $0x7  }
0x1a7: {  	_ =	swait.ge @!p0 [sflag:s0], s1  }
0x1a8: {  	s1 =	ssub.s32 @!p0 $0x0, s1;
	[sflag:s0] =	ssyncset.done @!p0 $0x0  }
0x1a9: {  	[sflag:s0] =	ssyncadd.s32 @!p0 s1  }
0x1aa: {  	[bflag:$0x3] =	sbarrier.arrive $0xFFFF  }
0x1ab: {  	_ =	shalt  }

</sc_bundles>
